<compile_context>
chip_gen: v7x
topology: tpu7x:2x2x1
jax: 0.10.2.dev20260603
libtpu: 0.0.44.dev20260713+nightly
codegen_flags: <defaults>
</compile_context>

<pallas_src>
import functools

import jax
import jax.numpy as jnp
from jax import lax
from jax.experimental import pallas as pl
from jax.experimental.pallas import tpu as pltpu
from jax.experimental.pallas import tpu_sc as plsc

N_NODES = 10000
N_EDGES = 320000
D_FEAT = 128
D_EDGE = 16

NC = 2
NS = 16

N_EB = N_EDGES // 128
CH = 125
N_CH = N_EB // CH
N_PAD = 10240
NRB = N_PAD // 128


def _sc_body(e4_hbm, idx_hbm, out_hbm,
             idx_sh, val_v, idx_v, acc, stg, vs0, vs1, is0, is1):
    c = lax.axis_index("c")
    s = lax.axis_index("s")
    fh = s // 8
    fm = lax.rem(s, 8)

    @pl.when(s == 0)
    def _():
        pltpu.sync_copy(idx_hbm, idx_sh)

    def _zero(i, carry):
        acc[pl.ds(i * 16, 16)] = jnp.zeros((16,), jnp.float32)
        return carry
    lax.fori_loop(0, N_PAD // 16, _zero, 0)
    plsc.subcore_barrier()

    vsems = (vs0, vs1)
    isems = (is0, is1)

    def _fetch(ch, b):
        pltpu.async_copy(
            e4_hbm.at[fh, pl.ds(ch * CH, CH), pl.ds(fm, 1), :],
            val_v.at[b], vsems[b])
        pltpu.async_copy(idx_sh.at[pl.ds(ch * CH, CH), pl.ds(1 - c, 1), :],
                         idx_v.at[b], isems[b])

    def _process(b):
        pltpu.make_async_copy(
            e4_hbm.at[fh, pl.ds(0, CH), pl.ds(fm, 1), :],
            val_v.at[b], vsems[b]).wait()
        pltpu.make_async_copy(idx_sh.at[pl.ds(0, CH), pl.ds(0, 1), :],
                              idx_v.at[b], isems[b]).wait()

        def _row(r, carry):
            ivs = [idx_v[b, r, 0, pl.ds(u * 16, 16)] for u in range(8)]
            vvs = [val_v[b, r, 0, pl.ds(u * 16, 16)] for u in range(8)]
            for u in range(8):
                plsc.addupdate_scatter(acc, [ivs[u]], vvs[u])
            return carry
        lax.fori_loop(0, CH, _row, 0)

    _fetch(0, 0)
    _fetch(1, 1)

    def _pair(t, carry):
        _process(0)

        @pl.when(2 * t + 2 < N_CH)
        def _():
            _fetch(2 * t + 2, 0)
        _process(1)

        @pl.when(2 * t + 3 < N_CH)
        def _():
            _fetch(2 * t + 3, 1)
        return carry
    lax.fori_loop(0, N_CH // 2, _pair, 0)

    def _rp(r, carry):
        for u in range(8):
            stg[r, pl.ds(u * 16, 16)] = acc[pl.ds(r * 128 + u * 16, 16)]
        return carry
    lax.fori_loop(0, NRB, _rp, 0)
    pltpu.sync_copy(stg, out_hbm.at[c, s])


_sc_agg = pl.kernel(
    _sc_body,
    out_type=jax.ShapeDtypeStruct((NC, NS, NRB, 128), jnp.float32),
    mesh=plsc.VectorSubcoreMesh(core_axis_name="c", subcore_axis_name="s"),
    compiler_params=pltpu.CompilerParams(use_tc_tiling_on_sc=False,
                                         needs_layout_passes=False),
    scratch_types=[
        pltpu.VMEM_SHARED((N_EB, 2, 128), jnp.int32),
        pltpu.VMEM((2, CH, 1, 128), jnp.float32),
        pltpu.VMEM((2, CH, 1, 128), jnp.int32),
        pltpu.VMEM((N_PAD,), jnp.float32),
        pltpu.VMEM((NRB, 128), jnp.float32),
        pltpu.SemaphoreType.DMA,
        pltpu.SemaphoreType.DMA,
        pltpu.SemaphoreType.DMA,
        pltpu.SemaphoreType.DMA,
    ],
)


ROW_BLK = 1024


def _mlp_body(agg_ref, x_ref, wio_ref, wx_ref, b_ref, o_ref):
    base = jnp.dot(x_ref[...], wx_ref[...],
                   preferred_element_type=jnp.float32) + b_ref[...]
    ac = agg_ref[...].reshape(2 * D_EDGE, 8, 128)
    for j in range(8):
        aj = ac[:, j, :]
        part = lax.dot_general(aj, wio_ref[...], (((0,), (0,)), ((), ())),
                               preferred_element_type=jnp.float32)
        o_ref[pl.ds(j * 128, 128), :] = base[j * 128:(j + 1) * 128, :] + part


@functools.partial(jax.jit, static_argnames=())
def kernel(x, edge_attr, W, b, edge_index):
    e4 = edge_attr.T.reshape(NC, 8, N_EB, 128).transpose(0, 2, 1, 3)
    idx3 = edge_index.astype(jnp.int32).reshape(2, N_EB, 128).transpose(1, 0, 2)
    agg = _sc_agg(e4, idx3)

    wio = W[:2 * D_EDGE]
    wx = W[2 * D_EDGE:]
    b2 = b.reshape(1, D_FEAT)

    grid = (N_PAD // ROW_BLK,)
    out = pl.pallas_call(
        _mlp_body,
        grid=grid,
        in_specs=[
            pl.BlockSpec((NC, NS, 8, 128), lambda i: (0, 0, i, 0)),
            pl.BlockSpec((ROW_BLK, D_FEAT), lambda i: (i, 0)),
            pl.BlockSpec((2 * D_EDGE, D_FEAT), lambda i: (0, 0)),
            pl.BlockSpec((D_FEAT, D_FEAT), lambda i: (0, 0)),
            pl.BlockSpec((1, D_FEAT), lambda i: (0, 0)),
        ],
        out_specs=pl.BlockSpec((ROW_BLK, D_FEAT), lambda i: (i, 0)),
        out_shape=jax.ShapeDtypeStruct((N_NODES, D_FEAT), jnp.float32),
    )(agg, x, wio, wx, b2)
    return out

# --- scband reference (transcript-rebuilt; emitter-appended) ---
"""Pipeline reference for scband-node-block-71425306132748 (READ-ONLY COPY).

The authoritative reference and input builder live on the scoring server;
editing this copy changes nothing except your own understanding.
"""

import jax, jax.numpy as jnp
import numpy as np

N_NODES = 10000
N_EDGES = 320000
D_FEAT = 128
D_EDGE = 16

def setup_inputs(seed: int = 0) -> dict:
    key = jax.random.key(seed)
    k1, k2, k3, k4 = jax.random.split(key, 4)
    x = jax.random.normal(k1, (N_NODES, D_FEAT), dtype=jnp.float32)
    edge_attr = jax.random.normal(k2, (N_EDGES, D_EDGE), dtype=jnp.float32)
    edge_index = jax.random.randint(k3, (2, N_EDGES), 0, N_NODES, dtype=jnp.int64)
    # updater for vertex type 'node': Linear(in_agg_dim + out_agg_dim + d_feat -> d_feat)
    W = jax.random.normal(k4, (2 * D_EDGE + D_FEAT, D_FEAT), dtype=jnp.float32) * (1.0 / np.sqrt(2 * D_EDGE + D_FEAT))
    b = jnp.zeros((D_FEAT,), dtype=jnp.float32)
    return {"x": x, "edge_attr": edge_attr, "W": W, "b": b, "edge_index": edge_index}

def reference(x, edge_attr, W, b, edge_index):
    # NodeBlock with one vertex type and one edge type.
    # in_e2n_aggregator: sum of edge features over incoming edges (grouped by dst node)
    # out_e2n_aggregator: sum of edge features over outgoing edges (grouped by src node)
    src = edge_index[0]
    dst = edge_index[1]
    n = x.shape[0]
    in_agg = jax.ops.segment_sum(edge_attr, dst, num_segments=n)
    out_agg = jax.ops.segment_sum(edge_attr, src, num_segments=n)
    # updater_input[vt] = concat([aggregated, vdata]) per node (vectorized)
    updater_input = jnp.concatenate([in_agg, out_agg, x], axis=1)
    # updater (Linear) applied to concatenated batch across graphs (single graph here)
    out = updater_input @ W + b
    return out

if __name__ == "__main__":
    import jax
    _d = setup_inputs()
    print(jax.jit(kernel)(*tuple(_d.values())))

</pallas_src>

<mosaic_0001>
#map = affine_map<(d0, d1) -> (0, 0, 0, 0)>
#map1 = affine_map<(d0, d1) -> (0, 0, 0)>
module attributes {stable_mosaic.version = 14 : i64} {
  func.func @_sc_body(%arg0: i32, %arg1: i32, %arg2: memref<2x2500x8x128xf32, #tpu.memory_space<hbm>>, %arg3: memref<2500x2x128xi32, #tpu.memory_space<hbm>>, %arg4: memref<2x16x80x128xf32, #tpu.memory_space<hbm>>, %arg5: memref<2500x2x128xi32, #tpu.memory_space<vmem_shared>>, %arg6: memref<2x125x1x128xf32, #tpu.memory_space<vmem>>, %arg7: memref<2x125x1x128xi32, #tpu.memory_space<vmem>>, %arg8: memref<10240xf32, #tpu.memory_space<vmem>>, %arg9: memref<80x128xf32, #tpu.memory_space<vmem>>, %arg10: memref<!tpu.dma_semaphore, #tpu.memory_space<semaphore_mem>>, %arg11: memref<!tpu.dma_semaphore, #tpu.memory_space<semaphore_mem>>, %arg12: memref<!tpu.dma_semaphore, #tpu.memory_space<semaphore_mem>>, %arg13: memref<!tpu.dma_semaphore, #tpu.memory_space<semaphore_mem>>) attributes {dimension_semantics = [#tpu.dimension_semantics<core_parallel>, #tpu.dimension_semantics<subcore_parallel>], iteration_bounds = array<i64: 2, 16>, scalar_prefetch = 0 : i64, scratch_operands = 9 : i64, tpu.core_type = #tpu.core_type<sc_vector_subcore>, window_params = [{transform_indices = #map}, {transform_indices = #map1}, {transform_indices = #map}]} {
    %jit3A = arith.constant 8 : i32
    %div3A = arith.divsi %arg1, %jit3A : i32
    %sign3A = arith.constant 0 : i32
    %sign3A_0 = arith.cmpi sgt, %arg1, %sign3A : i32
    %sign3A_1 = arith.extui %sign3A_0 : i1 to i32
    %sign3A_2 = arith.constant 0 : i32
    %sign3A_3 = arith.cmpi slt, %arg1, %sign3A_2 : i32
    %sign3A_4 = arith.extui %sign3A_3 : i1 to i32
    %sign3A_5 = arith.subi %sign3A_1, %sign3A_4 : i32
    %sign3A_6 = arith.constant 0 : i32
    %sign3A_7 = arith.cmpi sgt, %jit3A, %sign3A_6 : i32
    %sign3A_8 = arith.extui %sign3A_7 : i1 to i32
    %sign3A_9 = arith.constant 0 : i32
    %sign3A_10 = arith.cmpi slt, %jit3A, %sign3A_9 : i32
    %sign3A_11 = arith.extui %sign3A_10 : i1 to i32
    %sign3A_12 = arith.subi %sign3A_8, %sign3A_11 : i32
    %ne3A = arith.cmpi ne, %sign3A_5, %sign3A_12 : i32
    %rem3A = arith.remsi %arg1, %jit3A : i32
    %ne3A_13 = arith.constant 0 : i32
    %ne3A_14 = arith.cmpi ne, %rem3A, %ne3A_13 : i32
    %and3A = arith.andi %ne3A, %ne3A_14 : i1
    %sub3A = arith.constant 1 : i32
    %sub3A_15 = arith.subi %div3A, %sub3A : i32
    %select_n3A = arith.select %and3A, %sub3A_15, %div3A : i32
    %rem3A_16 = arith.constant 8 : i32
    %rem3A_17 = arith.remsi %arg1, %rem3A_16 : i32
    %eq3A = arith.constant 0 : i32
    %eq3A_18 = arith.cmpi eq, %arg1, %eq3A : i32
    %convert_element_type3A = arith.extui %eq3A_18 : i1 to i32
    %cond3A = arith.constant 0 : i32
    %cond3A_19 = arith.cmpi ne, %convert_element_type3A, %cond3A : i32
    scf.if %cond3A_19 {
      "tpu.region"() ({
        %run_scoped3A = tpu.sem_alloc : memref<!tpu.dma_semaphore, #tpu.memory_space<semaphore_mem>>
        tpu.enqueue_dma source(%arg3 : memref<2500x2x128xi32, #tpu.memory_space<hbm>>) target(%arg5 : memref<2500x2x128xi32, #tpu.memory_space<vmem_shared>>) target_semaphore(%run_scoped3A : memref<!tpu.dma_semaphore, #tpu.memory_space<semaphore_mem>>)
        tpu.wait_dma2 semaphore(%run_scoped3A : memref<!tpu.dma_semaphore, #tpu.memory_space<semaphore_mem>>) src(%arg3 : memref<2500x2x128xi32, #tpu.memory_space<hbm>>) dst(%arg5 : memref<2500x2x128xi32, #tpu.memory_space<vmem_shared>>)
        tpu.yield
      }) : () -> ()
    } else {
    }
    %scan3A = arith.constant 0 : i32
    %scan3A_20 = arith.constant 0 : i32
    %scan3A_21 = arith.constant 640 : i32
    %scan3A_22 = arith.addi %scan3A_20, %scan3A_21 : i32
    %scan3A_23 = arith.constant 1 : i32
    scf.for %scan3A_112 = %scan3A_20 to %scan3A_22 step %scan3A_23  : i32 {
      %broadcast_in_dim3A = arith.constant 0.000000e+00 : f32
      %broadcast_in_dim3A_113 = vector.broadcast %broadcast_in_dim3A : f32 to vector<16xf32>
      %mul3A = arith.constant 16 : i32
      %mul3A_114 = arith.muli %scan3A_112, %mul3A : i32
      %swap3A = arith.index_cast %mul3A_114 : i32 to index
      %swap3A_115 = tpu.vector_load %arg8[%swap3A] {strides = array<i32>} : memref<10240xf32, #tpu.memory_space<vmem>>, vector<16xf32>,
      tpu.vector_store %arg8[%swap3A], %broadcast_in_dim3A_113 {strides = array<i32>} : memref<10240xf32, #tpu.memory_space<vmem>>, vector<16xf32>,
    }
    %scan3A_24 = arith.constant 640 : i32
    %barrier3A = arith.constant 0 : index
    tpu.barrier barrier_id(%barrier3A)
    %dma_start3A = arith.constant 0 : i32
    %dma_start3A_25 = arith.constant 0 : i32
    %dma_start3A_26 = arith.constant 0 : i32
    %dma_start3A_27 = arith.constant 0 : i32
    %dma_start3A_28 = tpu.memref_slice %arg6[%dma_start3A, %dma_start3A_25, %dma_start3A_26, %dma_start3A_27] : memref<2x125x1x128xf32, #tpu.memory_space<vmem>> -> memref<1x125x1x128xf32, #tpu.memory_space<vmem>>
    %dma_start3A_29 = tpu.memref_squeeze %dma_start3A_28 : memref<1x125x1x128xf32, #tpu.memory_space<vmem>> -> memref<125x1x128xf32, #tpu.memory_space<vmem>>
    %dma_start3A_30 = arith.constant 0 : i32
    %dma_start3A_31 = arith.constant 0 : i32
    %dma_start3A_32 = tpu.memref_slice %arg2[%select_n3A, %dma_start3A_30, %rem3A_17, %dma_start3A_31] : memref<2x2500x8x128xf32, #tpu.memory_space<hbm>> -> memref<1x125x1x128xf32, #tpu.memory_space<hbm>>
    %dma_start3A_33 = tpu.memref_squeeze %dma_start3A_32 : memref<1x125x1x128xf32, #tpu.memory_space<hbm>> -> memref<125x1x128xf32, #tpu.memory_space<hbm>>
    %dma_start3A_34 = arith.constant 0 : i32
    %dma_start3A_35 = arith.constant 0 : i32
    %dma_start3A_36 = arith.constant 0 : i32
    %dma_start3A_37 = tpu.memref_slice %arg6[%dma_start3A, %dma_start3A_34, %dma_start3A_35, %dma_start3A_36] : memref<2x125x1x128xf32, #tpu.memory_space<vmem>> -> memref<1x125x1x128xf32, #tpu.memory_space<vmem>>
    %dma_start3A_38 = tpu.memref_squeeze %dma_start3A_37 : memref<1x125x1x128xf32, #tpu.memory_space<vmem>> -> memref<125x1x128xf32, #tpu.memory_space<vmem>>
    %dma_start3A_39 = arith.constant 0 : i32
    %dma_start3A_40 = arith.constant 0 : i32
    %dma_start3A_41 = tpu.memref_slice %arg2[%select_n3A, %dma_start3A_39, %rem3A_17, %dma_start3A_40] : memref<2x2500x8x128xf32, #tpu.memory_space<hbm>> -> memref<1x125x1x128xf32, #tpu.memory_space<hbm>>
    %dma_start3A_42 = tpu.memref_squeeze %dma_start3A_41 : memref<1x125x1x128xf32, #tpu.memory_space<hbm>> -> memref<125x1x128xf32, #tpu.memory_space<hbm>>
    tpu.enqueue_dma source(%dma_start3A_42 : memref<125x1x128xf32, #tpu.memory_space<hbm>>) target(%dma_start3A_38 : memref<125x1x128xf32, #tpu.memory_space<vmem>>) target_semaphore(%arg10 : memref<!tpu.dma_semaphore, #tpu.memory_space<semaphore_mem>>)
    %sub3A_43 = arith.constant 1 : i32
    %sub3A_44 = arith.subi %sub3A_43, %arg0 : i32
    %dma_start3A_45 = arith.constant 0 : i32
    %dma_start3A_46 = arith.constant 0 : i32
    %dma_start3A_47 = arith.constant 0 : i32
    %dma_start3A_48 = arith.constant 0 : i32
    %dma_start3A_49 = tpu.memref_slice %arg7[%dma_start3A_45, %dma_start3A_46, %dma_start3A_47, %dma_start3A_48] : memref<2x125x1x128xi32, #tpu.memory_space<vmem>> -> memref<1x125x1x128xi32, #tpu.memory_space<vmem>>
    %dma_start3A_50 = tpu.memref_squeeze %dma_start3A_49 : memref<1x125x1x128xi32, #tpu.memory_space<vmem>> -> memref<125x1x128xi32, #tpu.memory_space<vmem>>
    %dma_start3A_51 = arith.constant 0 : i32
    %dma_start3A_52 = arith.constant 0 : i32
    %dma_start3A_53 = tpu.memref_slice %arg5[%dma_start3A_51, %sub3A_44, %dma_start3A_52] : memref<2500x2x128xi32, #tpu.memory_space<vmem_shared>> -> memref<125x1x128xi32, #tpu.memory_space<vmem_shared>>
    %dma_start3A_54 = arith.constant 0 : i32
    %dma_start3A_55 = arith.constant 0 : i32
    %dma_start3A_56 = arith.constant 0 : i32
    %dma_start3A_57 = tpu.memref_slice %arg7[%dma_start3A_45, %dma_start3A_54, %dma_start3A_55, %dma_start3A_56] : memref<2x125x1x128xi32, #tpu.memory_space<vmem>> -> memref<1x125x1x128xi32, #tpu.memory_space<vmem>>
    %dma_start3A_58 = tpu.memref_squeeze %dma_start3A_57 : memref<1x125x1x128xi32, #tpu.memory_space<vmem>> -> memref<125x1x128xi32, #tpu.memory_space<vmem>>
    %dma_start3A_59 = arith.constant 0 : i32
    %dma_start3A_60 = arith.constant 0 : i32
    %dma_start3A_61 = tpu.memref_slice %arg5[%dma_start3A_59, %sub3A_44, %dma_start3A_60] : memref<2500x2x128xi32, #tpu.memory_space<vmem_shared>> -> memref<125x1x128xi32, #tpu.memory_space<vmem_shared>>
    tpu.enqueue_dma source(%dma_start3A_61 : memref<125x1x128xi32, #tpu.memory_space<vmem_shared>>) target(%dma_start3A_58 : memref<125x1x128xi32, #tpu.memory_space<vmem>>) target_semaphore(%arg12 : memref<!tpu.dma_semaphore, #tpu.memory_space<semaphore_mem>>)
    %dma_start3A_62 = arith.constant 1 : i32
    %dma_start3A_63 = arith.constant 0 : i32
    %dma_start3A_64 = arith.constant 0 : i32
    %dma_start3A_65 = arith.constant 0 : i32
    %dma_start3A_66 = tpu.memref_slice %arg6[%dma_start3A_62, %dma_start3A_63, %dma_start3A_64, %dma_start3A_65] : memref<2x125x1x128xf32, #tpu.memory_space<vmem>> -> memref<1x125x1x128xf32, #tpu.memory_space<vmem>>
    %dma_start3A_67 = tpu.memref_squeeze %dma_start3A_66 : memref<1x125x1x128xf32, #tpu.memory_space<vmem>> -> memref<125x1x128xf32, #tpu.memory_space<vmem>>
    %dma_start3A_68 = arith.constant 125 : i32
    %dma_start3A_69 = arith.constant 0 : i32
    %dma_start3A_70 = tpu.memref_slice %arg2[%select_n3A, %dma_start3A_68, %rem3A_17, %dma_start3A_69] : memref<2x2500x8x128xf32, #tpu.memory_space<hbm>> -> memref<1x125x1x128xf32, #tpu.memory_space<hbm>>
    %dma_start3A_71 = tpu.memref_squeeze %dma_start3A_70 : memref<1x125x1x128xf32, #tpu.memory_space<hbm>> -> memref<125x1x128xf32, #tpu.memory_space<hbm>>
    %dma_start3A_72 = arith.constant 0 : i32
    %dma_start3A_73 = arith.constant 0 : i32
    %dma_start3A_74 = arith.constant 0 : i32
    %dma_start3A_75 = tpu.memref_slice %arg6[%dma_start3A_62, %dma_start3A_72, %dma_start3A_73, %dma_start3A_74] : memref<2x125x1x128xf32, #tpu.memory_space<vmem>> -> memref<1x125x1x128xf32, #tpu.memory_space<vmem>>
    %dma_start3A_76 = tpu.memref_squeeze %dma_start3A_75 : memref<1x125x1x128xf32, #tpu.memory_space<vmem>> -> memref<125x1x128xf32, #tpu.memory_space<vmem>>
    %dma_start3A_77 = arith.constant 125 : i32
    %dma_start3A_78 = arith.constant 0 : i32
    %dma_start3A_79 = tpu.memref_slice %arg2[%select_n3A, %dma_start3A_77, %rem3A_17, %dma_start3A_78] : memref<2x2500x8x128xf32, #tpu.memory_space<hbm>> -> memref<1x125x1x128xf32, #tpu.memory_space<hbm>>
    %dma_start3A_80 = tpu.memref_squeeze %dma_start3A_79 : memref<1x125x1x128xf32, #tpu.memory_space<hbm>> -> memref<125x1x128xf32, #tpu.memory_space<hbm>>
    tpu.enqueue_dma source(%dma_start3A_80 : memref<125x1x128xf32, #tpu.memory_space<hbm>>) target(%dma_start3A_76 : memref<125x1x128xf32, #tpu.memory_space<vmem>>) target_semaphore(%arg11 : memref<!tpu.dma_semaphore, #tpu.memory_space<semaphore_mem>>)
    %sub3A_81 = arith.constant 1 : i32
    %sub3A_82 = arith.subi %sub3A_81, %arg0 : i32
    %dma_start3A_83 = arith.constant 1 : i32
    %dma_start3A_84 = arith.constant 0 : i32
    %dma_start3A_85 = arith.constant 0 : i32
    %dma_start3A_86 = arith.constant 0 : i32
    %dma_start3A_87 = tpu.memref_slice %arg7[%dma_start3A_83, %dma_start3A_84, %dma_start3A_85, %dma_start3A_86] : memref<2x125x1x128xi32, #tpu.memory_space<vmem>> -> memref<1x125x1x128xi32, #tpu.memory_space<vmem>>
    %dma_start3A_88 = tpu.memref_squeeze %dma_start3A_87 : memref<1x125x1x128xi32, #tpu.memory_space<vmem>> -> memref<125x1x128xi32, #tpu.memory_space<vmem>>
    %dma_start3A_89 = arith.constant 125 : i32
    %dma_start3A_90 = arith.constant 0 : i32
    %dma_start3A_91 = tpu.memref_slice %arg5[%dma_start3A_89, %sub3A_82, %dma_start3A_90] : memref<2500x2x128xi32, #tpu.memory_space<vmem_shared>> -> memref<125x1x128xi32, #tpu.memory_space<vmem_shared>>
    %dma_start3A_92 = arith.constant 0 : i32
    %dma_start3A_93 = arith.constant 0 : i32
    %dma_start3A_94 = arith.constant 0 : i32
    %dma_start3A_95 = tpu.memref_slice %arg7[%dma_start3A_83, %dma_start3A_92, %dma_start3A_93, %dma_start3A_94] : memref<2x125x1x128xi32, #tpu.memory_space<vmem>> -> memref<1x125x1x128xi32, #tpu.memory_space<vmem>>
    %dma_start3A_96 = tpu.memref_squeeze %dma_start3A_95 : memref<1x125x1x128xi32, #tpu.memory_space<vmem>> -> memref<125x1x128xi32, #tpu.memory_space<vmem>>
    %dma_start3A_97 = arith.constant 125 : i32
    %dma_start3A_98 = arith.constant 0 : i32
    %dma_start3A_99 = tpu.memref_slice %arg5[%dma_start3A_97, %sub3A_82, %dma_start3A_98] : memref<2500x2x128xi32, #tpu.memory_space<vmem_shared>> -> memref<125x1x128xi32, #tpu.memory_space<vmem_shared>>
    tpu.enqueue_dma source(%dma_start3A_99 : memref<125x1x128xi32, #tpu.memory_space<vmem_shared>>) target(%dma_start3A_96 : memref<125x1x128xi32, #tpu.memory_space<vmem>>) target_semaphore(%arg13 : memref<!tpu.dma_semaphore, #tpu.memory_space<semaphore_mem>>)
    %scan3A_100 = arith.constant 0 : i32
    %scan3A_101 = arith.constant 0 : i32
    %scan3A_102 = arith.constant 10 : i32
    %scan3A_103 = arith.addi %scan3A_101, %scan3A_102 : i32
    %scan3A_104 = arith.constant 1 : i32
    scf.for %scan3A_112 = %scan3A_101 to %scan3A_103 step %scan3A_104  : i32 {
      %dma_wait3A = arith.constant 0 : i32
      %dma_wait3A_113 = arith.constant 0 : i32
      %dma_wait3A_114 = arith.constant 0 : i32
      %dma_wait3A_115 = arith.constant 0 : i32
      %dma_wait3A_116 = tpu.memref_slice %arg6[%dma_wait3A, %dma_wait3A_113, %dma_wait3A_114, %dma_wait3A_115] : memref<2x125x1x128xf32, #tpu.memory_space<vmem>> -> memref<1x125x1x128xf32, #tpu.memory_space<vmem>>
      %dma_wait3A_117 = tpu.memref_squeeze %dma_wait3A_116 : memref<1x125x1x128xf32, #tpu.memory_space<vmem>> -> memref<125x1x128xf32, #tpu.memory_space<vmem>>
      %dma_wait3A_118 = arith.constant 0 : i32
      %dma_wait3A_119 = arith.constant 0 : i32
      %dma_wait3A_120 = tpu.memref_slice %arg2[%select_n3A, %dma_wait3A_118, %rem3A_17, %dma_wait3A_119] : memref<2x2500x8x128xf32, #tpu.memory_space<hbm>> -> memref<1x125x1x128xf32, #tpu.memory_space<hbm>>
      %dma_wait3A_121 = tpu.memref_squeeze %dma_wait3A_120 : memref<1x125x1x128xf32, #tpu.memory_space<hbm>> -> memref<125x1x128xf32, #tpu.memory_space<hbm>>
      %dma_wait3A_122 = arith.constant 0 : i32
      %dma_wait3A_123 = arith.constant 0 : i32
      %dma_wait3A_124 = arith.constant 0 : i32
      %dma_wait3A_125 = tpu.memref_slice %arg6[%dma_wait3A, %dma_wait3A_122, %dma_wait3A_123, %dma_wait3A_124] : memref<2x125x1x128xf32, #tpu.memory_space<vmem>> -> memref<1x125x1x128xf32, #tpu.memory_space<vmem>>
      %dma_wait3A_126 = tpu.memref_squeeze %dma_wait3A_125 : memref<1x125x1x128xf32, #tpu.memory_space<vmem>> -> memref<125x1x128xf32, #tpu.memory_space<vmem>>
      %dma_wait3A_127 = arith.constant 0 : i32
      %dma_wait3A_128 = arith.constant 0 : i32
      %dma_wait3A_129 = tpu.memref_slice %arg2[%select_n3A, %dma_wait3A_127, %rem3A_17, %dma_wait3A_128] : memref<2x2500x8x128xf32, #tpu.memory_space<hbm>> -> memref<1x125x1x128xf32, #tpu.memory_space<hbm>>
      %dma_wait3A_130 = tpu.memref_squeeze %dma_wait3A_129 : memref<1x125x1x128xf32, #tpu.memory_space<hbm>> -> memref<125x1x128xf32, #tpu.memory_space<hbm>>
      tpu.wait_dma2 semaphore(%arg10 : memref<!tpu.dma_semaphore, #tpu.memory_space<semaphore_mem>>) src(%dma_wait3A_130 : memref<125x1x128xf32, #tpu.memory_space<hbm>>) dst(%dma_wait3A_126 : memref<125x1x128xf32, #tpu.memory_space<vmem>>)
      %dma_wait3A_131 = arith.constant 0 : i32
      %dma_wait3A_132 = arith.constant 0 : i32
      %dma_wait3A_133 = arith.constant 0 : i32
      %dma_wait3A_134 = arith.constant 0 : i32
      %dma_wait3A_135 = tpu.memref_slice %arg7[%dma_wait3A_131, %dma_wait3A_132, %dma_wait3A_133, %dma_wait3A_134] : memref<2x125x1x128xi32, #tpu.memory_space<vmem>> -> memref<1x125x1x128xi32, #tpu.memory_space<vmem>>
      %dma_wait3A_136 = tpu.memref_squeeze %dma_wait3A_135 : memref<1x125x1x128xi32, #tpu.memory_space<vmem>> -> memref<125x1x128xi32, #tpu.memory_space<vmem>>
      %dma_wait3A_137 = arith.constant 0 : i32
      %dma_wait3A_138 = arith.constant 0 : i32
      %dma_wait3A_139 = arith.constant 0 : i32
      %dma_wait3A_140 = tpu.memref_slice %arg5[%dma_wait3A_137, %dma_wait3A_138, %dma_wait3A_139] : memref<2500x2x128xi32, #tpu.memory_space<vmem_shared>> -> memref<125x1x128xi32, #tpu.memory_space<vmem_shared>>
      %dma_wait3A_141 = arith.constant 0 : i32
      %dma_wait3A_142 = arith.constant 0 : i32
      %dma_wait3A_143 = arith.constant 0 : i32
      %dma_wait3A_144 = tpu.memref_slice %arg7[%dma_wait3A_131, %dma_wait3A_141, %dma_wait3A_142, %dma_wait3A_143] : memref<2x125x1x128xi32, #tpu.memory_space<vmem>> -> memref<1x125x1x128xi32, #tpu.memory_space<vmem>>
      %dma_wait3A_145 = tpu.memref_squeeze %dma_wait3A_144 : memref<1x125x1x128xi32, #tpu.memory_space<vmem>> -> memref<125x1x128xi32, #tpu.memory_space<vmem>>
      %dma_wait3A_146 = arith.constant 0 : i32
      %dma_wait3A_147 = arith.constant 0 : i32
      %dma_wait3A_148 = arith.constant 0 : i32
      %dma_wait3A_149 = tpu.memref_slice %arg5[%dma_wait3A_146, %dma_wait3A_147, %dma_wait3A_148] : memref<2500x2x128xi32, #tpu.memory_space<vmem_shared>> -> memref<125x1x128xi32, #tpu.memory_space<vmem_shared>>
      tpu.wait_dma2 semaphore(%arg12 : memref<!tpu.dma_semaphore, #tpu.memory_space<semaphore_mem>>) src(%dma_wait3A_149 : memref<125x1x128xi32, #tpu.memory_space<vmem_shared>>) dst(%dma_wait3A_145 : memref<125x1x128xi32, #tpu.memory_space<vmem>>)
      %scan3A_150 = arith.constant 0 : i32
      %scan3A_151 = arith.constant 0 : i32
      %scan3A_152 = arith.constant 125 : i32
      %scan3A_153 = arith.addi %scan3A_151, %scan3A_152 : i32
      %scan3A_154 = arith.constant 1 : i32
      scf.for %scan3A_215 = %scan3A_151 to %scan3A_153 step %scan3A_154  : i32 {
        %get3A = arith.constant 0 : i32
        %get3A_216 = arith.constant 0 : i32
        %get3A_217 = arith.index_cast %get3A : i32 to index
        %get3A_218 = arith.index_cast %scan3A_215 : i32 to index
        %get3A_219 = arith.index_cast %get3A_216 : i32 to index
        %get3A_220 = arith.constant 0 : index
        %get3A_221 = tpu.vector_load %arg7[%get3A_217, %get3A_218, %get3A_219, %get3A_220] {strides = array<i32>} : memref<2x125x1x128xi32, #tpu.memory_space<vmem>>, vector<16xi32>,
        %get3A_222 = arith.constant 0 : i32
        %get3A_223 = arith.constant 0 : i32
        %get3A_224 = arith.index_cast %get3A_222 : i32 to index
        %get3A_225 = arith.index_cast %scan3A_215 : i32 to index
        %get3A_226 = arith.index_cast %get3A_223 : i32 to index
        %get3A_227 = arith.constant 16 : index
        %get3A_228 = tpu.vector_load %arg7[%get3A_224, %get3A_225, %get3A_226, %get3A_227] {strides = array<i32>} : memref<2x125x1x128xi32, #tpu.memory_space<vmem>>, vector<16xi32>,
        %get3A_229 = arith.constant 0 : i32
        %get3A_230 = arith.constant 0 : i32
        %get3A_231 = arith.index_cast %get3A_229 : i32 to index
        %get3A_232 = arith.index_cast %scan3A_215 : i32 to index
        %get3A_233 = arith.index_cast %get3A_230 : i32 to index
        %get3A_234 = arith.constant 32 : index
        %get3A_235 = tpu.vector_load %arg7[%get3A_231, %get3A_232, %get3A_233, %get3A_234] {strides = array<i32>} : memref<2x125x1x128xi32, #tpu.memory_space<vmem>>, vector<16xi32>,
        %get3A_236 = arith.constant 0 : i32
        %get3A_237 = arith.constant 0 : i32
        %get3A_238 = arith.index_cast %get3A_236 : i32 to index
        %get3A_239 = arith.index_cast %scan3A_215 : i32 to index
        %get3A_240 = arith.index_cast %get3A_237 : i32 to index
        %get3A_241 = arith.constant 48 : index
        %get3A_242 = tpu.vector_load %arg7[%get3A_238, %get3A_239, %get3A_240, %get3A_241] {strides = array<i32>} : memref<2x125x1x128xi32, #tpu.memory_space<vmem>>, vector<16xi32>,
        %get3A_243 = arith.constant 0 : i32
        %get3A_244 = arith.constant 0 : i32
        %get3A_245 = arith.index_cast %get3A_243 : i32 to index
        %get3A_246 = arith.index_cast %scan3A_215 : i32 to index
        %get3A_247 = arith.index_cast %get3A_244 : i32 to index
        %get3A_248 = arith.constant 64 : index
        %get3A_249 = tpu.vector_load %arg7[%get3A_245, %get3A_246, %get3A_247, %get3A_248] {strides = array<i32>} : memref<2x125x1x128xi32, #tpu.memory_space<vmem>>, vector<16xi32>,
        %get3A_250 = arith.constant 0 : i32
        %get3A_251 = arith.constant 0 : i32
        %get3A_252 = arith.index_cast %get3A_250 : i32 to index
        %get3A_253 = arith.index_cast %scan3A_215 : i32 to index
        %get3A_254 = arith.index_cast %get3A_251 : i32 to index
        %get3A_255 = arith.constant 80 : index
        %get3A_256 = tpu.vector_load %arg7[%get3A_252, %get3A_253, %get3A_254, %get3A_255] {strides = array<i32>} : memref<2x125x1x128xi32, #tpu.memory_space<vmem>>, vector<16xi32>,
        %get3A_257 = arith.constant 0 : i32
        %get3A_258 = arith.constant 0 : i32
        %get3A_259 = arith.index_cast %get3A_257 : i32 to index
        %get3A_260 = arith.index_cast %scan3A_215 : i32 to index
        %get3A_261 = arith.index_cast %get3A_258 : i32 to index
        %get3A_262 = arith.constant 96 : index
        %get3A_263 = tpu.vector_load %arg7[%get3A_259, %get3A_260, %get3A_261, %get3A_262] {strides = array<i32>} : memref<2x125x1x128xi32, #tpu.memory_space<vmem>>, vector<16xi32>,
        %get3A_264 = arith.constant 0 : i32
        %get3A_265 = arith.constant 0 : i32
        %get3A_266 = arith.index_cast %get3A_264 : i32 to index
        %get3A_267 = arith.index_cast %scan3A_215 : i32 to index
        %get3A_268 = arith.index_cast %get3A_265 : i32 to index
        %get3A_269 = arith.constant 112 : index
        %get3A_270 = tpu.vector_load %arg7[%get3A_266, %get3A_267, %get3A_268, %get3A_269] {strides = array<i32>} : memref<2x125x1x128xi32, #tpu.memory_space<vmem>>, vector<16xi32>,
        %get3A_271 = arith.constant 0 : i32
        %get3A_272 = arith.constant 0 : i32
        %get3A_273 = arith.index_cast %get3A_271 : i32 to index
        %get3A_274 = arith.index_cast %scan3A_215 : i32 to index
        %get3A_275 = arith.index_cast %get3A_272 : i32 to index
        %get3A_276 = arith.constant 0 : index
        %get3A_277 = tpu.vector_load %arg6[%get3A_273, %get3A_274, %get3A_275, %get3A_276] {strides = array<i32>} : memref<2x125x1x128xf32, #tpu.memory_space<vmem>>, vector<16xf32>,
        %get3A_278 = arith.constant 0 : i32
        %get3A_279 = arith.constant 0 : i32
        %get3A_280 = arith.index_cast %get3A_278 : i32 to index
        %get3A_281 = arith.index_cast %scan3A_215 : i32 to index
        %get3A_282 = arith.index_cast %get3A_279 : i32 to index
        %get3A_283 = arith.constant 16 : index
        %get3A_284 = tpu.vector_load %arg6[%get3A_280, %get3A_281, %get3A_282, %get3A_283] {strides = array<i32>} : memref<2x125x1x128xf32, #tpu.memory_space<vmem>>, vector<16xf32>,
        %get3A_285 = arith.constant 0 : i32
        %get3A_286 = arith.constant 0 : i32
        %get3A_287 = arith.index_cast %get3A_285 : i32 to index
        %get3A_288 = arith.index_cast %scan3A_215 : i32 to index
        %get3A_289 = arith.index_cast %get3A_286 : i32 to index
        %get3A_290 = arith.constant 32 : index
        %get3A_291 = tpu.vector_load %arg6[%get3A_287, %get3A_288, %get3A_289, %get3A_290] {strides = array<i32>} : memref<2x125x1x128xf32, #tpu.memory_space<vmem>>, vector<16xf32>,
        %get3A_292 = arith.constant 0 : i32
        %get3A_293 = arith.constant 0 : i32
        %get3A_294 = arith.index_cast %get3A_292 : i32 to index
        %get3A_295 = arith.index_cast %scan3A_215 : i32 to index
        %get3A_296 = arith.index_cast %get3A_293 : i32 to index
        %get3A_297 = arith.constant 48 : index
        %get3A_298 = tpu.vector_load %arg6[%get3A_294, %get3A_295, %get3A_296, %get3A_297] {strides = array<i32>} : memref<2x125x1x128xf32, #tpu.memory_space<vmem>>, vector<16xf32>,
        %get3A_299 = arith.constant 0 : i32
        %get3A_300 = arith.constant 0 : i32
        %get3A_301 = arith.index_cast %get3A_299 : i32 to index
        %get3A_302 = arith.index_cast %scan3A_215 : i32 to index
        %get3A_303 = arith.index_cast %get3A_300 : i32 to index
        %get3A_304 = arith.constant 64 : index
        %get3A_305 = tpu.vector_load %arg6[%get3A_301, %get3A_302, %get3A_303, %get3A_304] {strides = array<i32>} : memref<2x125x1x128xf32, #tpu.memory_space<vmem>>, vector<16xf32>,
        %get3A_306 = arith.constant 0 : i32
        %get3A_307 = arith.constant 0 : i32
        %get3A_308 = arith.index_cast %get3A_306 : i32 to index
        %get3A_309 = arith.index_cast %scan3A_215 : i32 to index
        %get3A_310 = arith.index_cast %get3A_307 : i32 to index
        %get3A_311 = arith.constant 80 : index
        %get3A_312 = tpu.vector_load %arg6[%get3A_308, %get3A_309, %get3A_310, %get3A_311] {strides = array<i32>} : memref<2x125x1x128xf32, #tpu.memory_space<vmem>>, vector<16xf32>,
        %get3A_313 = arith.constant 0 : i32
        %get3A_314 = arith.constant 0 : i32
        %get3A_315 = arith.index_cast %get3A_313 : i32 to index
        %get3A_316 = arith.index_cast %scan3A_215 : i32 to index
        %get3A_317 = arith.index_cast %get3A_314 : i32 to index
        %get3A_318 = arith.constant 96 : index
        %get3A_319 = tpu.vector_load %arg6[%get3A_315, %get3A_316, %get3A_317, %get3A_318] {strides = array<i32>} : memref<2x125x1x128xf32, #tpu.memory_space<vmem>>, vector<16xf32>,
        %get3A_320 = arith.constant 0 : i32
        %get3A_321 = arith.constant 0 : i32
        %get3A_322 = arith.index_cast %get3A_320 : i32 to index
        %get3A_323 = arith.index_cast %scan3A_215 : i32 to index
        %get3A_324 = arith.index_cast %get3A_321 : i32 to index
        %get3A_325 = arith.constant 112 : index
        %get3A_326 = tpu.vector_load %arg6[%get3A_322, %get3A_323, %get3A_324, %get3A_325] {strides = array<i32>} : memref<2x125x1x128xf32, #tpu.memory_space<vmem>>, vector<16xf32>,
        tpu.vector_store_idx %arg8[%get3A_221], %get3A_277 {add = true} : memref<10240xf32, #tpu.memory_space<vmem>>[vector<16xi32>], vector<16xf32>,
        tpu.vector_store_idx %arg8[%get3A_228], %get3A_284 {add = true} : memref<10240xf32, #tpu.memory_space<vmem>>[vector<16xi32>], vector<16xf32>,
        tpu.vector_store_idx %arg8[%get3A_235], %get3A_291 {add = true} : memref<10240xf32, #tpu.memory_space<vmem>>[vector<16xi32>], vector<16xf32>,
        tpu.vector_store_idx %arg8[%get3A_242], %get3A_298 {add = true} : memref<10240xf32, #tpu.memory_space<vmem>>[vector<16xi32>], vector<16xf32>,
        tpu.vector_store_idx %arg8[%get3A_249], %get3A_305 {add = true} : memref<10240xf32, #tpu.memory_space<vmem>>[vector<16xi32>], vector<16xf32>,
        tpu.vector_store_idx %arg8[%get3A_256], %get3A_312 {add = true} : memref<10240xf32, #tpu.memory_space<vmem>>[vector<16xi32>], vector<16xf32>,
        tpu.vector_store_idx %arg8[%get3A_263], %get3A_319 {add = true} : memref<10240xf32, #tpu.memory_space<vmem>>[vector<16xi32>], vector<16xf32>,
        tpu.vector_store_idx %arg8[%get3A_270], %get3A_326 {add = true} : memref<10240xf32, #tpu.memory_space<vmem>>[vector<16xi32>], vector<16xf32>,
      }
      %scan3A_155 = arith.constant 125 : i32
      %mul3A = arith.constant 2 : i32
      %mul3A_156 = arith.muli %mul3A, %scan3A_112 : i32
      %add3A = arith.constant 2 : i32
      %add3A_157 = arith.addi %mul3A_156, %add3A : i32
      %lt3A = arith.constant 20 : i32
      %lt3A_158 = arith.cmpi slt, %add3A_157, %lt3A : i32
      %convert_element_type3A_159 = arith.extui %lt3A_158 : i1 to i32
      %cond3A_160 = arith.constant 0 : i32
      %cond3A_161 = arith.cmpi ne, %convert_element_type3A_159, %cond3A_160 : i32
      scf.if %cond3A_161 {
        %mul3A_215 = arith.constant 2 : i32
        %mul3A_216 = arith.muli %mul3A_215, %scan3A_112 : i32
        %add3A_217 = arith.constant 2 : i32
        %add3A_218 = arith.addi %mul3A_216, %add3A_217 : i32
        %mul3A_219 = arith.constant 125 : i32
        %mul3A_220 = arith.muli %add3A_218, %mul3A_219 : i32
        %dma_start3A_221 = arith.constant 0 : i32
        %dma_start3A_222 = arith.constant 0 : i32
        %dma_start3A_223 = arith.constant 0 : i32
        %dma_start3A_224 = arith.constant 0 : i32
        %dma_start3A_225 = tpu.memref_slice %arg6[%dma_start3A_221, %dma_start3A_222, %dma_start3A_223, %dma_start3A_224] : memref<2x125x1x128xf32, #tpu.memory_space<vmem>> -> memref<1x125x1x128xf32, #tpu.memory_space<vmem>>
        %dma_start3A_226 = tpu.memref_squeeze %dma_start3A_225 : memref<1x125x1x128xf32, #tpu.memory_space<vmem>> -> memref<125x1x128xf32, #tpu.memory_space<vmem>>
        %dma_start3A_227 = arith.constant 0 : i32
        %dma_start3A_228 = tpu.memref_slice %arg2[%select_n3A, %mul3A_220, %rem3A_17, %dma_start3A_227] : memref<2x2500x8x128xf32, #tpu.memory_space<hbm>> -> memref<1x125x1x128xf32, #tpu.memory_space<hbm>>
        %dma_start3A_229 = tpu.memref_squeeze %dma_start3A_228 : memref<1x125x1x128xf32, #tpu.memory_space<hbm>> -> memref<125x1x128xf32, #tpu.memory_space<hbm>>
        %dma_start3A_230 = arith.constant 0 : i32
        %dma_start3A_231 = arith.constant 0 : i32
        %dma_start3A_232 = arith.constant 0 : i32
        %dma_start3A_233 = tpu.memref_slice %arg6[%dma_start3A_221, %dma_start3A_230, %dma_start3A_231, %dma_start3A_232] : memref<2x125x1x128xf32, #tpu.memory_space<vmem>> -> memref<1x125x1x128xf32, #tpu.memory_space<vmem>>
        %dma_start3A_234 = tpu.memref_squeeze %dma_start3A_233 : memref<1x125x1x128xf32, #tpu.memory_space<vmem>> -> memref<125x1x128xf32, #tpu.memory_space<vmem>>
        %dma_start3A_235 = arith.constant 0 : i32
        %dma_start3A_236 = tpu.memref_slice %arg2[%select_n3A, %mul3A_220, %rem3A_17, %dma_start3A_235] : memref<2x2500x8x128xf32, #tpu.memory_space<hbm>> -> memref<1x125x1x128xf32, #tpu.memory_space<hbm>>
        %dma_start3A_237 = tpu.memref_squeeze %dma_start3A_236 : memref<1x125x1x128xf32, #tpu.memory_space<hbm>> -> memref<125x1x128xf32, #tpu.memory_space<hbm>>
        tpu.enqueue_dma source(%dma_start3A_237 : memref<125x1x128xf32, #tpu.memory_space<hbm>>) target(%dma_start3A_234 : memref<125x1x128xf32, #tpu.memory_space<vmem>>) target_semaphore(%arg10 : memref<!tpu.dma_semaphore, #tpu.memory_space<semaphore_mem>>)
        %mul3A_238 = arith.constant 125 : i32
        %mul3A_239 = arith.muli %add3A_218, %mul3A_238 : i32
        %sub3A_240 = arith.constant 1 : i32
        %sub3A_241 = arith.subi %sub3A_240, %arg0 : i32
        %dma_start3A_242 = arith.constant 0 : i32
        %dma_start3A_243 = arith.constant 0 : i32
        %dma_start3A_244 = arith.constant 0 : i32
        %dma_start3A_245 = arith.constant 0 : i32
        %dma_start3A_246 = tpu.memref_slice %arg7[%dma_start3A_242, %dma_start3A_243, %dma_start3A_244, %dma_start3A_245] : memref<2x125x1x128xi32, #tpu.memory_space<vmem>> -> memref<1x125x1x128xi32, #tpu.memory_space<vmem>>
        %dma_start3A_247 = tpu.memref_squeeze %dma_start3A_246 : memref<1x125x1x128xi32, #tpu.memory_space<vmem>> -> memref<125x1x128xi32, #tpu.memory_space<vmem>>
        %dma_start3A_248 = arith.constant 0 : i32
        %dma_start3A_249 = tpu.memref_slice %arg5[%mul3A_239, %sub3A_241, %dma_start3A_248] : memref<2500x2x128xi32, #tpu.memory_space<vmem_shared>> -> memref<125x1x128xi32, #tpu.memory_space<vmem_shared>>
        %dma_start3A_250 = arith.constant 0 : i32
        %dma_start3A_251 = arith.constant 0 : i32
        %dma_start3A_252 = arith.constant 0 : i32
        %dma_start3A_253 = tpu.memref_slice %arg7[%dma_start3A_242, %dma_start3A_250, %dma_start3A_251, %dma_start3A_252] : memref<2x125x1x128xi32, #tpu.memory_space<vmem>> -> memref<1x125x1x128xi32, #tpu.memory_space<vmem>>
        %dma_start3A_254 = tpu.memref_squeeze %dma_start3A_253 : memref<1x125x1x128xi32, #tpu.memory_space<vmem>> -> memref<125x1x128xi32, #tpu.memory_space<vmem>>
        %dma_start3A_255 = arith.constant 0 : i32
        %dma_start3A_256 = tpu.memref_slice %arg5[%mul3A_239, %sub3A_241, %dma_start3A_255] : memref<2500x2x128xi32, #tpu.memory_space<vmem_shared>> -> memref<125x1x128xi32, #tpu.memory_space<vmem_shared>>
        tpu.enqueue_dma source(%dma_start3A_256 : memref<125x1x128xi32, #tpu.memory_space<vmem_shared>>) target(%dma_start3A_254 : memref<125x1x128xi32, #tpu.memory_space<vmem>>) target_semaphore(%arg12 : memref<!tpu.dma_semaphore, #tpu.memory_space<semaphore_mem>>)
      } else {
      }
      %dma_wait3A_162 = arith.constant 1 : i32
      %dma_wait3A_163 = arith.constant 0 : i32
      %dma_wait3A_164 = arith.constant 0 : i32
      %dma_wait3A_165 = arith.constant 0 : i32
      %dma_wait3A_166 = tpu.memref_slice %arg6[%dma_wait3A_162, %dma_wait3A_163, %dma_wait3A_164, %dma_wait3A_165] : memref<2x125x1x128xf32, #tpu.memory_space<vmem>> -> memref<1x125x1x128xf32, #tpu.memory_space<vmem>>
      %dma_wait3A_167 = tpu.memref_squeeze %dma_wait3A_166 : memref<1x125x1x128xf32, #tpu.memory_space<vmem>> -> memref<125x1x128xf32, #tpu.memory_space<vmem>>
      %dma_wait3A_168 = arith.constant 0 : i32
      %dma_wait3A_169 = arith.constant 0 : i32
      %dma_wait3A_170 = tpu.memref_slice %arg2[%select_n3A, %dma_wait3A_168, %rem3A_17, %dma_wait3A_169] : memref<2x2500x8x128xf32, #tpu.memory_space<hbm>> -> memref<1x125x1x128xf32, #tpu.memory_space<hbm>>
      %dma_wait3A_171 = tpu.memref_squeeze %dma_wait3A_170 : memref<1x125x1x128xf32, #tpu.memory_space<hbm>> -> memref<125x1x128xf32, #tpu.memory_space<hbm>>
      %dma_wait3A_172 = arith.constant 0 : i32
      %dma_wait3A_173 = arith.constant 0 : i32
      %dma_wait3A_174 = arith.constant 0 : i32
      %dma_wait3A_175 = tpu.memref_slice %arg6[%dma_wait3A_162, %dma_wait3A_172, %dma_wait3A_173, %dma_wait3A_174] : memref<2x125x1x128xf32, #tpu.memory_space<vmem>> -> memref<1x125x1x128xf32, #tpu.memory_space<vmem>>
      %dma_wait3A_176 = tpu.memref_squeeze %dma_wait3A_175 : memref<1x125x1x128xf32, #tpu.memory_space<vmem>> -> memref<125x1x128xf32, #tpu.memory_space<vmem>>
      %dma_wait3A_177 = arith.constant 0 : i32
      %dma_wait3A_178 = arith.constant 0 : i32
      %dma_wait3A_179 = tpu.memref_slice %arg2[%select_n3A, %dma_wait3A_177, %rem3A_17, %dma_wait3A_178] : memref<2x2500x8x128xf32, #tpu.memory_space<hbm>> -> memref<1x125x1x128xf32, #tpu.memory_space<hbm>>
      %dma_wait3A_180 = tpu.memref_squeeze %dma_wait3A_179 : memref<1x125x1x128xf32, #tpu.memory_space<hbm>> -> memref<125x1x128xf32, #tpu.memory_space<hbm>>
      tpu.wait_dma2 semaphore(%arg11 : memref<!tpu.dma_semaphore, #tpu.memory_space<semaphore_mem>>) src(%dma_wait3A_180 : memref<125x1x128xf32, #tpu.memory_space<hbm>>) dst(%dma_wait3A_176 : memref<125x1x128xf32, #tpu.memory_space<vmem>>)
      %dma_wait3A_181 = arith.constant 1 : i32
      %dma_wait3A_182 = arith.constant 0 : i32
      %dma_wait3A_183 = arith.constant 0 : i32
      %dma_wait3A_184 = arith.constant 0 : i32
      %dma_wait3A_185 = tpu.memref_slice %arg7[%dma_wait3A_181, %dma_wait3A_182, %dma_wait3A_183, %dma_wait3A_184] : memref<2x125x1x128xi32, #tpu.memory_space<vmem>> -> memref<1x125x1x128xi32, #tpu.memory_space<vmem>>
      %dma_wait3A_186 = tpu.memref_squeeze %dma_wait3A_185 : memref<1x125x1x128xi32, #tpu.memory_space<vmem>> -> memref<125x1x128xi32, #tpu.memory_space<vmem>>
      %dma_wait3A_187 = arith.constant 0 : i32
      %dma_wait3A_188 = arith.constant 0 : i32
      %dma_wait3A_189 = arith.constant 0 : i32
      %dma_wait3A_190 = tpu.memref_slice %arg5[%dma_wait3A_187, %dma_wait3A_188, %dma_wait3A_189] : memref<2500x2x128xi32, #tpu.memory_space<vmem_shared>> -> memref<125x1x128xi32, #tpu.memory_space<vmem_shared>>
      %dma_wait3A_191 = arith.constant 0 : i32
      %dma_wait3A_192 = arith.constant 0 : i32
      %dma_wait3A_193 = arith.constant 0 : i32
      %dma_wait3A_194 = tpu.memref_slice %arg7[%dma_wait3A_181, %dma_wait3A_191, %dma_wait3A_192, %dma_wait3A_193] : memref<2x125x1x128xi32, #tpu.memory_space<vmem>> -> memref<1x125x1x128xi32, #tpu.memory_space<vmem>>
      %dma_wait3A_195 = tpu.memref_squeeze %dma_wait3A_194 : memref<1x125x1x128xi32, #tpu.memory_space<vmem>> -> memref<125x1x128xi32, #tpu.memory_space<vmem>>
      %dma_wait3A_196 = arith.constant 0 : i32
      %dma_wait3A_197 = arith.constant 0 : i32
      %dma_wait3A_198 = arith.constant 0 : i32
      %dma_wait3A_199 = tpu.memref_slice %arg5[%dma_wait3A_196, %dma_wait3A_197, %dma_wait3A_198] : memref<2500x2x128xi32, #tpu.memory_space<vmem_shared>> -> memref<125x1x128xi32, #tpu.memory_space<vmem_shared>>
      tpu.wait_dma2 semaphore(%arg13 : memref<!tpu.dma_semaphore, #tpu.memory_space<semaphore_mem>>) src(%dma_wait3A_199 : memref<125x1x128xi32, #tpu.memory_space<vmem_shared>>) dst(%dma_wait3A_195 : memref<125x1x128xi32, #tpu.memory_space<vmem>>)
      %scan3A_200 = arith.constant 0 : i32
      %scan3A_201 = arith.constant 0 : i32
      %scan3A_202 = arith.constant 125 : i32
      %scan3A_203 = arith.addi %scan3A_201, %scan3A_202 : i32
      %scan3A_204 = arith.constant 1 : i32
      scf.for %scan3A_215 = %scan3A_201 to %scan3A_203 step %scan3A_204  : i32 {
        %get3A = arith.constant 1 : i32
        %get3A_216 = arith.constant 0 : i32
        %get3A_217 = arith.index_cast %get3A : i32 to index
        %get3A_218 = arith.index_cast %scan3A_215 : i32 to index
        %get3A_219 = arith.index_cast %get3A_216 : i32 to index
        %get3A_220 = arith.constant 0 : index
        %get3A_221 = tpu.vector_load %arg7[%get3A_217, %get3A_218, %get3A_219, %get3A_220] {strides = array<i32>} : memref<2x125x1x128xi32, #tpu.memory_space<vmem>>, vector<16xi32>,
        %get3A_222 = arith.constant 1 : i32
        %get3A_223 = arith.constant 0 : i32
        %get3A_224 = arith.index_cast %get3A_222 : i32 to index
        %get3A_225 = arith.index_cast %scan3A_215 : i32 to index
        %get3A_226 = arith.index_cast %get3A_223 : i32 to index
        %get3A_227 = arith.constant 16 : index
        %get3A_228 = tpu.vector_load %arg7[%get3A_224, %get3A_225, %get3A_226, %get3A_227] {strides = array<i32>} : memref<2x125x1x128xi32, #tpu.memory_space<vmem>>, vector<16xi32>,
        %get3A_229 = arith.constant 1 : i32
        %get3A_230 = arith.constant 0 : i32
        %get3A_231 = arith.index_cast %get3A_229 : i32 to index
        %get3A_232 = arith.index_cast %scan3A_215 : i32 to index
        %get3A_233 = arith.index_cast %get3A_230 : i32 to index
        %get3A_234 = arith.constant 32 : index
        %get3A_235 = tpu.vector_load %arg7[%get3A_231, %get3A_232, %get3A_233, %get3A_234] {strides = array<i32>} : memref<2x125x1x128xi32, #tpu.memory_space<vmem>>, vector<16xi32>,
        %get3A_236 = arith.constant 1 : i32
        %get3A_237 = arith.constant 0 : i32
        %get3A_238 = arith.index_cast %get3A_236 : i32 to index
        %get3A_239 = arith.index_cast %scan3A_215 : i32 to index
        %get3A_240 = arith.index_cast %get3A_237 : i32 to index
        %get3A_241 = arith.constant 48 : index
        %get3A_242 = tpu.vector_load %arg7[%get3A_238, %get3A_239, %get3A_240, %get3A_241] {strides = array<i32>} : memref<2x125x1x128xi32, #tpu.memory_space<vmem>>, vector<16xi32>,
        %get3A_243 = arith.constant 1 : i32
        %get3A_244 = arith.constant 0 : i32
        %get3A_245 = arith.index_cast %get3A_243 : i32 to index
        %get3A_246 = arith.index_cast %scan3A_215 : i32 to index
        %get3A_247 = arith.index_cast %get3A_244 : i32 to index
        %get3A_248 = arith.constant 64 : index
        %get3A_249 = tpu.vector_load %arg7[%get3A_245, %get3A_246, %get3A_247, %get3A_248] {strides = array<i32>} : memref<2x125x1x128xi32, #tpu.memory_space<vmem>>, vector<16xi32>,
        %get3A_250 = arith.constant 1 : i32
        %get3A_251 = arith.constant 0 : i32
        %get3A_252 = arith.index_cast %get3A_250 : i32 to index
        %get3A_253 = arith.index_cast %scan3A_215 : i32 to index
        %get3A_254 = arith.index_cast %get3A_251 : i32 to index
        %get3A_255 = arith.constant 80 : index
        %get3A_256 = tpu.vector_load %arg7[%get3A_252, %get3A_253, %get3A_254, %get3A_255] {strides = array<i32>} : memref<2x125x1x128xi32, #tpu.memory_space<vmem>>, vector<16xi32>,
        %get3A_257 = arith.constant 1 : i32
        %get3A_258 = arith.constant 0 : i32
        %get3A_259 = arith.index_cast %get3A_257 : i32 to index
        %get3A_260 = arith.index_cast %scan3A_215 : i32 to index
        %get3A_261 = arith.index_cast %get3A_258 : i32 to index
        %get3A_262 = arith.constant 96 : index
        %get3A_263 = tpu.vector_load %arg7[%get3A_259, %get3A_260, %get3A_261, %get3A_262] {strides = array<i32>} : memref<2x125x1x128xi32, #tpu.memory_space<vmem>>, vector<16xi32>,
        %get3A_264 = arith.constant 1 : i32
        %get3A_265 = arith.constant 0 : i32
        %get3A_266 = arith.index_cast %get3A_264 : i32 to index
        %get3A_267 = arith.index_cast %scan3A_215 : i32 to index
        %get3A_268 = arith.index_cast %get3A_265 : i32 to index
        %get3A_269 = arith.constant 112 : index
        %get3A_270 = tpu.vector_load %arg7[%get3A_266, %get3A_267, %get3A_268, %get3A_269] {strides = array<i32>} : memref<2x125x1x128xi32, #tpu.memory_space<vmem>>, vector<16xi32>,
        %get3A_271 = arith.constant 1 : i32
        %get3A_272 = arith.constant 0 : i32
        %get3A_273 = arith.index_cast %get3A_271 : i32 to index
        %get3A_274 = arith.index_cast %scan3A_215 : i32 to index
        %get3A_275 = arith.index_cast %get3A_272 : i32 to index
        %get3A_276 = arith.constant 0 : index
        %get3A_277 = tpu.vector_load %arg6[%get3A_273, %get3A_274, %get3A_275, %get3A_276] {strides = array<i32>} : memref<2x125x1x128xf32, #tpu.memory_space<vmem>>, vector<16xf32>,
        %get3A_278 = arith.constant 1 : i32
        %get3A_279 = arith.constant 0 : i32
        %get3A_280 = arith.index_cast %get3A_278 : i32 to index
        %get3A_281 = arith.index_cast %scan3A_215 : i32 to index
        %get3A_282 = arith.index_cast %get3A_279 : i32 to index
        %get3A_283 = arith.constant 16 : index
        %get3A_284 = tpu.vector_load %arg6[%get3A_280, %get3A_281, %get3A_282, %get3A_283] {strides = array<i32>} : memref<2x125x1x128xf32, #tpu.memory_space<vmem>>, vector<16xf32>,
        %get3A_285 = arith.constant 1 : i32
        %get3A_286 = arith.constant 0 : i32
        %get3A_287 = arith.index_cast %get3A_285 : i32 to index
        %get3A_288 = arith.index_cast %scan3A_215 : i32 to index
        %get3A_289 = arith.index_cast %get3A_286 : i32 to index
        %get3A_290 = arith.constant 32 : index
        %get3A_291 = tpu.vector_load %arg6[%get3A_287, %get3A_288, %get3A_289, %get3A_290] {strides = array<i32>} : memref<2x125x1x128xf32, #tpu.memory_space<vmem>>, vector<16xf32>,
        %get3A_292 = arith.constant 1 : i32
        %get3A_293 = arith.constant 0 : i32
        %get3A_294 = arith.index_cast %get3A_292 : i32 to index
        %get3A_295 = arith.index_cast %scan3A_215 : i32 to index
        %get3A_296 = arith.index_cast %get3A_293 : i32 to index
        %get3A_297 = arith.constant 48 : index
        %get3A_298 = tpu.vector_load %arg6[%get3A_294, %get3A_295, %get3A_296, %get3A_297] {strides = array<i32>} : memref<2x125x1x128xf32, #tpu.memory_space<vmem>>, vector<16xf32>,
        %get3A_299 = arith.constant 1 : i32
        %get3A_300 = arith.constant 0 : i32
        %get3A_301 = arith.index_cast %get3A_299 : i32 to index
        %get3A_302 = arith.index_cast %scan3A_215 : i32 to index
        %get3A_303 = arith.index_cast %get3A_300 : i32 to index
        %get3A_304 = arith.constant 64 : index
        %get3A_305 = tpu.vector_load %arg6[%get3A_301, %get3A_302, %get3A_303, %get3A_304] {strides = array<i32>} : memref<2x125x1x128xf32, #tpu.memory_space<vmem>>, vector<16xf32>,
        %get3A_306 = arith.constant 1 : i32
        %get3A_307 = arith.constant 0 : i32
        %get3A_308 = arith.index_cast %get3A_306 : i32 to index
        %get3A_309 = arith.index_cast %scan3A_215 : i32 to index
        %get3A_310 = arith.index_cast %get3A_307 : i32 to index
        %get3A_311 = arith.constant 80 : index
        %get3A_312 = tpu.vector_load %arg6[%get3A_308, %get3A_309, %get3A_310, %get3A_311] {strides = array<i32>} : memref<2x125x1x128xf32, #tpu.memory_space<vmem>>, vector<16xf32>,
        %get3A_313 = arith.constant 1 : i32
        %get3A_314 = arith.constant 0 : i32
        %get3A_315 = arith.index_cast %get3A_313 : i32 to index
        %get3A_316 = arith.index_cast %scan3A_215 : i32 to index
        %get3A_317 = arith.index_cast %get3A_314 : i32 to index
        %get3A_318 = arith.constant 96 : index
        %get3A_319 = tpu.vector_load %arg6[%get3A_315, %get3A_316, %get3A_317, %get3A_318] {strides = array<i32>} : memref<2x125x1x128xf32, #tpu.memory_space<vmem>>, vector<16xf32>,
        %get3A_320 = arith.constant 1 : i32
        %get3A_321 = arith.constant 0 : i32
        %get3A_322 = arith.index_cast %get3A_320 : i32 to index
        %get3A_323 = arith.index_cast %scan3A_215 : i32 to index
        %get3A_324 = arith.index_cast %get3A_321 : i32 to index
        %get3A_325 = arith.constant 112 : index
        %get3A_326 = tpu.vector_load %arg6[%get3A_322, %get3A_323, %get3A_324, %get3A_325] {strides = array<i32>} : memref<2x125x1x128xf32, #tpu.memory_space<vmem>>, vector<16xf32>,
        tpu.vector_store_idx %arg8[%get3A_221], %get3A_277 {add = true} : memref<10240xf32, #tpu.memory_space<vmem>>[vector<16xi32>], vector<16xf32>,
        tpu.vector_store_idx %arg8[%get3A_228], %get3A_284 {add = true} : memref<10240xf32, #tpu.memory_space<vmem>>[vector<16xi32>], vector<16xf32>,
        tpu.vector_store_idx %arg8[%get3A_235], %get3A_291 {add = true} : memref<10240xf32, #tpu.memory_space<vmem>>[vector<16xi32>], vector<16xf32>,
        tpu.vector_store_idx %arg8[%get3A_242], %get3A_298 {add = true} : memref<10240xf32, #tpu.memory_space<vmem>>[vector<16xi32>], vector<16xf32>,
        tpu.vector_store_idx %arg8[%get3A_249], %get3A_305 {add = true} : memref<10240xf32, #tpu.memory_space<vmem>>[vector<16xi32>], vector<16xf32>,
        tpu.vector_store_idx %arg8[%get3A_256], %get3A_312 {add = true} : memref<10240xf32, #tpu.memory_space<vmem>>[vector<16xi32>], vector<16xf32>,
        tpu.vector_store_idx %arg8[%get3A_263], %get3A_319 {add = true} : memref<10240xf32, #tpu.memory_space<vmem>>[vector<16xi32>], vector<16xf32>,
        tpu.vector_store_idx %arg8[%get3A_270], %get3A_326 {add = true} : memref<10240xf32, #tpu.memory_space<vmem>>[vector<16xi32>], vector<16xf32>,
      }
      %scan3A_205 = arith.constant 125 : i32
      %mul3A_206 = arith.constant 2 : i32
      %mul3A_207 = arith.muli %mul3A_206, %scan3A_112 : i32
      %add3A_208 = arith.constant 3 : i32
      %add3A_209 = arith.addi %mul3A_207, %add3A_208 : i32
      %lt3A_210 = arith.constant 20 : i32
      %lt3A_211 = arith.cmpi slt, %add3A_209, %lt3A_210 : i32
      %convert_element_type3A_212 = arith.extui %lt3A_211 : i1 to i32
      %cond3A_213 = arith.constant 0 : i32
      %cond3A_214 = arith.cmpi ne, %convert_element_type3A_212, %cond3A_213 : i32
      scf.if %cond3A_214 {
        %mul3A_215 = arith.constant 2 : i32
        %mul3A_216 = arith.muli %mul3A_215, %scan3A_112 : i32
        %add3A_217 = arith.constant 3 : i32
        %add3A_218 = arith.addi %mul3A_216, %add3A_217 : i32
        %mul3A_219 = arith.constant 125 : i32
        %mul3A_220 = arith.muli %add3A_218, %mul3A_219 : i32
        %dma_start3A_221 = arith.constant 1 : i32
        %dma_start3A_222 = arith.constant 0 : i32
        %dma_start3A_223 = arith.constant 0 : i32
        %dma_start3A_224 = arith.constant 0 : i32
        %dma_start3A_225 = tpu.memref_slice %arg6[%dma_start3A_221, %dma_start3A_222, %dma_start3A_223, %dma_start3A_224] : memref<2x125x1x128xf32, #tpu.memory_space<vmem>> -> memref<1x125x1x128xf32, #tpu.memory_space<vmem>>
        %dma_start3A_226 = tpu.memref_squeeze %dma_start3A_225 : memref<1x125x1x128xf32, #tpu.memory_space<vmem>> -> memref<125x1x128xf32, #tpu.memory_space<vmem>>
        %dma_start3A_227 = arith.constant 0 : i32
        %dma_start3A_228 = tpu.memref_slice %arg2[%select_n3A, %mul3A_220, %rem3A_17, %dma_start3A_227] : memref<2x2500x8x128xf32, #tpu.memory_space<hbm>> -> memref<1x125x1x128xf32, #tpu.memory_space<hbm>>
        %dma_start3A_229 = tpu.memref_squeeze %dma_start3A_228 : memref<1x125x1x128xf32, #tpu.memory_space<hbm>> -> memref<125x1x128xf32, #tpu.memory_space<hbm>>
        %dma_start3A_230 = arith.constant 0 : i32
        %dma_start3A_231 = arith.constant 0 : i32
        %dma_start3A_232 = arith.constant 0 : i32
        %dma_start3A_233 = tpu.memref_slice %arg6[%dma_start3A_221, %dma_start3A_230, %dma_start3A_231, %dma_start3A_232] : memref<2x125x1x128xf32, #tpu.memory_space<vmem>> -> memref<1x125x1x128xf32, #tpu.memory_space<vmem>>
        %dma_start3A_234 = tpu.memref_squeeze %dma_start3A_233 : memref<1x125x1x128xf32, #tpu.memory_space<vmem>> -> memref<125x1x128xf32, #tpu.memory_space<vmem>>
        %dma_start3A_235 = arith.constant 0 : i32
        %dma_start3A_236 = tpu.memref_slice %arg2[%select_n3A, %mul3A_220, %rem3A_17, %dma_start3A_235] : memref<2x2500x8x128xf32, #tpu.memory_space<hbm>> -> memref<1x125x1x128xf32, #tpu.memory_space<hbm>>
        %dma_start3A_237 = tpu.memref_squeeze %dma_start3A_236 : memref<1x125x1x128xf32, #tpu.memory_space<hbm>> -> memref<125x1x128xf32, #tpu.memory_space<hbm>>
        tpu.enqueue_dma source(%dma_start3A_237 : memref<125x1x128xf32, #tpu.memory_space<hbm>>) target(%dma_start3A_234 : memref<125x1x128xf32, #tpu.memory_space<vmem>>) target_semaphore(%arg11 : memref<!tpu.dma_semaphore, #tpu.memory_space<semaphore_mem>>)
        %mul3A_238 = arith.constant 125 : i32
        %mul3A_239 = arith.muli %add3A_218, %mul3A_238 : i32
        %sub3A_240 = arith.constant 1 : i32
        %sub3A_241 = arith.subi %sub3A_240, %arg0 : i32
        %dma_start3A_242 = arith.constant 1 : i32
        %dma_start3A_243 = arith.constant 0 : i32
        %dma_start3A_244 = arith.constant 0 : i32
        %dma_start3A_245 = arith.constant 0 : i32
        %dma_start3A_246 = tpu.memref_slice %arg7[%dma_start3A_242, %dma_start3A_243, %dma_start3A_244, %dma_start3A_245] : memref<2x125x1x128xi32, #tpu.memory_space<vmem>> -> memref<1x125x1x128xi32, #tpu.memory_space<vmem>>
        %dma_start3A_247 = tpu.memref_squeeze %dma_start3A_246 : memref<1x125x1x128xi32, #tpu.memory_space<vmem>> -> memref<125x1x128xi32, #tpu.memory_space<vmem>>
        %dma_start3A_248 = arith.constant 0 : i32
        %dma_start3A_249 = tpu.memref_slice %arg5[%mul3A_239, %sub3A_241, %dma_start3A_248] : memref<2500x2x128xi32, #tpu.memory_space<vmem_shared>> -> memref<125x1x128xi32, #tpu.memory_space<vmem_shared>>
        %dma_start3A_250 = arith.constant 0 : i32
        %dma_start3A_251 = arith.constant 0 : i32
        %dma_start3A_252 = arith.constant 0 : i32
        %dma_start3A_253 = tpu.memref_slice %arg7[%dma_start3A_242, %dma_start3A_250, %dma_start3A_251, %dma_start3A_252] : memref<2x125x1x128xi32, #tpu.memory_space<vmem>> -> memref<1x125x1x128xi32, #tpu.memory_space<vmem>>
        %dma_start3A_254 = tpu.memref_squeeze %dma_start3A_253 : memref<1x125x1x128xi32, #tpu.memory_space<vmem>> -> memref<125x1x128xi32, #tpu.memory_space<vmem>>
        %dma_start3A_255 = arith.constant 0 : i32
        %dma_start3A_256 = tpu.memref_slice %arg5[%mul3A_239, %sub3A_241, %dma_start3A_255] : memref<2500x2x128xi32, #tpu.memory_space<vmem_shared>> -> memref<125x1x128xi32, #tpu.memory_space<vmem_shared>>
        tpu.enqueue_dma source(%dma_start3A_256 : memref<125x1x128xi32, #tpu.memory_space<vmem_shared>>) target(%dma_start3A_254 : memref<125x1x128xi32, #tpu.memory_space<vmem>>) target_semaphore(%arg13 : memref<!tpu.dma_semaphore, #tpu.memory_space<semaphore_mem>>)
      } else {
      }
    }
    %scan3A_105 = arith.constant 10 : i32
    %scan3A_106 = arith.constant 0 : i32
    %scan3A_107 = arith.constant 0 : i32
    %scan3A_108 = arith.constant 80 : i32
    %scan3A_109 = arith.addi %scan3A_107, %scan3A_108 : i32
    %scan3A_110 = arith.constant 1 : i32
    scf.for %scan3A_112 = %scan3A_107 to %scan3A_109 step %scan3A_110  : i32 {
      %mul3A = arith.constant 128 : i32
      %mul3A_113 = arith.muli %scan3A_112, %mul3A : i32
      %add3A = arith.constant 0 : i32
      %add3A_114 = arith.addi %mul3A_113, %add3A : i32
      %get3A = arith.index_cast %add3A_114 : i32 to index
      %get3A_115 = tpu.vector_load %arg8[%get3A] {strides = array<i32>} : memref<10240xf32, #tpu.memory_space<vmem>>, vector<16xf32>,
      %swap3A = arith.index_cast %scan3A_112 : i32 to index
      %swap3A_116 = arith.constant 0 : index
      %swap3A_117 = tpu.vector_load %arg9[%swap3A, %swap3A_116] {strides = array<i32>} : memref<80x128xf32, #tpu.memory_space<vmem>>, vector<16xf32>,
      tpu.vector_store %arg9[%swap3A, %swap3A_116], %get3A_115 {strides = array<i32>} : memref<80x128xf32, #tpu.memory_space<vmem>>, vector<16xf32>,
      %mul3A_118 = arith.constant 128 : i32
      %mul3A_119 = arith.muli %scan3A_112, %mul3A_118 : i32
      %add3A_120 = arith.constant 16 : i32
      %add3A_121 = arith.addi %mul3A_119, %add3A_120 : i32
      %get3A_122 = arith.index_cast %add3A_121 : i32 to index
      %get3A_123 = tpu.vector_load %arg8[%get3A_122] {strides = array<i32>} : memref<10240xf32, #tpu.memory_space<vmem>>, vector<16xf32>,
      %swap3A_124 = arith.index_cast %scan3A_112 : i32 to index
      %swap3A_125 = arith.constant 16 : index
      %swap3A_126 = tpu.vector_load %arg9[%swap3A_124, %swap3A_125] {strides = array<i32>} : memref<80x128xf32, #tpu.memory_space<vmem>>, vector<16xf32>,
      tpu.vector_store %arg9[%swap3A_124, %swap3A_125], %get3A_123 {strides = array<i32>} : memref<80x128xf32, #tpu.memory_space<vmem>>, vector<16xf32>,
      %mul3A_127 = arith.constant 128 : i32
      %mul3A_128 = arith.muli %scan3A_112, %mul3A_127 : i32
      %add3A_129 = arith.constant 32 : i32
      %add3A_130 = arith.addi %mul3A_128, %add3A_129 : i32
      %get3A_131 = arith.index_cast %add3A_130 : i32 to index
      %get3A_132 = tpu.vector_load %arg8[%get3A_131] {strides = array<i32>} : memref<10240xf32, #tpu.memory_space<vmem>>, vector<16xf32>,
      %swap3A_133 = arith.index_cast %scan3A_112 : i32 to index
      %swap3A_134 = arith.constant 32 : index
      %swap3A_135 = tpu.vector_load %arg9[%swap3A_133, %swap3A_134] {strides = array<i32>} : memref<80x128xf32, #tpu.memory_space<vmem>>, vector<16xf32>,
      tpu.vector_store %arg9[%swap3A_133, %swap3A_134], %get3A_132 {strides = array<i32>} : memref<80x128xf32, #tpu.memory_space<vmem>>, vector<16xf32>,
      %mul3A_136 = arith.constant 128 : i32
      %mul3A_137 = arith.muli %scan3A_112, %mul3A_136 : i32
      %add3A_138 = arith.constant 48 : i32
      %add3A_139 = arith.addi %mul3A_137, %add3A_138 : i32
      %get3A_140 = arith.index_cast %add3A_139 : i32 to index
      %get3A_141 = tpu.vector_load %arg8[%get3A_140] {strides = array<i32>} : memref<10240xf32, #tpu.memory_space<vmem>>, vector<16xf32>,
      %swap3A_142 = arith.index_cast %scan3A_112 : i32 to index
      %swap3A_143 = arith.constant 48 : index
      %swap3A_144 = tpu.vector_load %arg9[%swap3A_142, %swap3A_143] {strides = array<i32>} : memref<80x128xf32, #tpu.memory_space<vmem>>, vector<16xf32>,
      tpu.vector_store %arg9[%swap3A_142, %swap3A_143], %get3A_141 {strides = array<i32>} : memref<80x128xf32, #tpu.memory_space<vmem>>, vector<16xf32>,
      %mul3A_145 = arith.constant 128 : i32
      %mul3A_146 = arith.muli %scan3A_112, %mul3A_145 : i32
      %add3A_147 = arith.constant 64 : i32
      %add3A_148 = arith.addi %mul3A_146, %add3A_147 : i32
      %get3A_149 = arith.index_cast %add3A_148 : i32 to index
      %get3A_150 = tpu.vector_load %arg8[%get3A_149] {strides = array<i32>} : memref<10240xf32, #tpu.memory_space<vmem>>, vector<16xf32>,
      %swap3A_151 = arith.index_cast %scan3A_112 : i32 to index
      %swap3A_152 = arith.constant 64 : index
      %swap3A_153 = tpu.vector_load %arg9[%swap3A_151, %swap3A_152] {strides = array<i32>} : memref<80x128xf32, #tpu.memory_space<vmem>>, vector<16xf32>,
      tpu.vector_store %arg9[%swap3A_151, %swap3A_152], %get3A_150 {strides = array<i32>} : memref<80x128xf32, #tpu.memory_space<vmem>>, vector<16xf32>,
      %mul3A_154 = arith.constant 128 : i32
      %mul3A_155 = arith.muli %scan3A_112, %mul3A_154 : i32
      %add3A_156 = arith.constant 80 : i32
      %add3A_157 = arith.addi %mul3A_155, %add3A_156 : i32
      %get3A_158 = arith.index_cast %add3A_157 : i32 to index
      %get3A_159 = tpu.vector_load %arg8[%get3A_158] {strides = array<i32>} : memref<10240xf32, #tpu.memory_space<vmem>>, vector<16xf32>,
      %swap3A_160 = arith.index_cast %scan3A_112 : i32 to index
      %swap3A_161 = arith.constant 80 : index
      %swap3A_162 = tpu.vector_load %arg9[%swap3A_160, %swap3A_161] {strides = array<i32>} : memref<80x128xf32, #tpu.memory_space<vmem>>, vector<16xf32>,
      tpu.vector_store %arg9[%swap3A_160, %swap3A_161], %get3A_159 {strides = array<i32>} : memref<80x128xf32, #tpu.memory_space<vmem>>, vector<16xf32>,
      %mul3A_163 = arith.constant 128 : i32
      %mul3A_164 = arith.muli %scan3A_112, %mul3A_163 : i32
      %add3A_165 = arith.constant 96 : i32
      %add3A_166 = arith.addi %mul3A_164, %add3A_165 : i32
      %get3A_167 = arith.index_cast %add3A_166 : i32 to index
      %get3A_168 = tpu.vector_load %arg8[%get3A_167] {strides = array<i32>} : memref<10240xf32, #tpu.memory_space<vmem>>, vector<16xf32>,
      %swap3A_169 = arith.index_cast %scan3A_112 : i32 to index
      %swap3A_170 = arith.constant 96 : index
      %swap3A_171 = tpu.vector_load %arg9[%swap3A_169, %swap3A_170] {strides = array<i32>} : memref<80x128xf32, #tpu.memory_space<vmem>>, vector<16xf32>,
      tpu.vector_store %arg9[%swap3A_169, %swap3A_170], %get3A_168 {strides = array<i32>} : memref<80x128xf32, #tpu.memory_space<vmem>>, vector<16xf32>,
      %mul3A_172 = arith.constant 128 : i32
      %mul3A_173 = arith.muli %scan3A_112, %mul3A_172 : i32
      %add3A_174 = arith.constant 112 : i32
      %add3A_175 = arith.addi %mul3A_173, %add3A_174 : i32
      %get3A_176 = arith.index_cast %add3A_175 : i32 to index
      %get3A_177 = tpu.vector_load %arg8[%get3A_176] {strides = array<i32>} : memref<10240xf32, #tpu.memory_space<vmem>>, vector<16xf32>,
      %swap3A_178 = arith.index_cast %scan3A_112 : i32 to index
      %swap3A_179 = arith.constant 112 : index
      %swap3A_180 = tpu.vector_load %arg9[%swap3A_178, %swap3A_179] {strides = array<i32>} : memref<80x128xf32, #tpu.memory_space<vmem>>, vector<16xf32>,
      tpu.vector_store %arg9[%swap3A_178, %swap3A_179], %get3A_177 {strides = array<i32>} : memref<80x128xf32, #tpu.memory_space<vmem>>, vector<16xf32>,
    }
    %scan3A_111 = arith.constant 80 : i32
    "tpu.region"() ({
      %run_scoped3A = tpu.sem_alloc : memref<!tpu.dma_semaphore, #tpu.memory_space<semaphore_mem>>
      %dma_start3A_112 = arith.constant 0 : i32
      %dma_start3A_113 = arith.constant 0 : i32
      %dma_start3A_114 = tpu.memref_slice %arg4[%arg0, %arg1, %dma_start3A_112, %dma_start3A_113] : memref<2x16x80x128xf32, #tpu.memory_space<hbm>> -> memref<1x1x80x128xf32, #tpu.memory_space<hbm>>
      %dma_start3A_115 = tpu.memref_squeeze %dma_start3A_114 : memref<1x1x80x128xf32, #tpu.memory_space<hbm>> -> memref<80x128xf32, #tpu.memory_space<hbm>>
      %dma_start3A_116 = arith.constant 0 : i32
      %dma_start3A_117 = arith.constant 0 : i32
      %dma_start3A_118 = tpu.memref_slice %arg4[%arg0, %arg1, %dma_start3A_116, %dma_start3A_117] : memref<2x16x80x128xf32, #tpu.memory_space<hbm>> -> memref<1x1x80x128xf32, #tpu.memory_space<hbm>>
      %dma_start3A_119 = tpu.memref_squeeze %dma_start3A_118 : memref<1x1x80x128xf32, #tpu.memory_space<hbm>> -> memref<80x128xf32, #tpu.memory_space<hbm>>
      tpu.enqueue_dma source(%arg9 : memref<80x128xf32, #tpu.memory_space<vmem>>) target(%dma_start3A_119 : memref<80x128xf32, #tpu.memory_space<hbm>>) target_semaphore(%run_scoped3A : memref<!tpu.dma_semaphore, #tpu.memory_space<semaphore_mem>>)
      %dma_wait3A = arith.constant 0 : i32
      %dma_wait3A_120 = arith.constant 0 : i32
      %dma_wait3A_121 = tpu.memref_slice %arg4[%arg0, %arg1, %dma_wait3A, %dma_wait3A_120] : memref<2x16x80x128xf32, #tpu.memory_space<hbm>> -> memref<1x1x80x128xf32, #tpu.memory_space<hbm>>
      %dma_wait3A_122 = tpu.memref_squeeze %dma_wait3A_121 : memref<1x1x80x128xf32, #tpu.memory_space<hbm>> -> memref<80x128xf32, #tpu.memory_space<hbm>>
      %dma_wait3A_123 = arith.constant 0 : i32
      %dma_wait3A_124 = arith.constant 0 : i32
      %dma_wait3A_125 = tpu.memref_slice %arg4[%arg0, %arg1, %dma_wait3A_123, %dma_wait3A_124] : memref<2x16x80x128xf32, #tpu.memory_space<hbm>> -> memref<1x1x80x128xf32, #tpu.memory_space<hbm>>
      %dma_wait3A_126 = tpu.memref_squeeze %dma_wait3A_125 : memref<1x1x80x128xf32, #tpu.memory_space<hbm>> -> memref<80x128xf32, #tpu.memory_space<hbm>>
      tpu.wait_dma2 semaphore(%run_scoped3A : memref<!tpu.dma_semaphore, #tpu.memory_space<semaphore_mem>>) src(%arg9 : memref<80x128xf32, #tpu.memory_space<vmem>>) dst(%dma_wait3A_126 : memref<80x128xf32, #tpu.memory_space<hbm>>)
      tpu.yield
    }) : () -> ()
    return
  }
}

module attributes {stable_mosaic.version = 14 : i64} {
  func.func @_mlp_body(%arg0: i32, %arg1: memref<2x16x8x128xf32, #tpu.memory_space<vmem>>, %arg2: memref<1024x128xf32, #tpu.memory_space<vmem>>, %arg3: memref<32x128xf32, #tpu.memory_space<vmem>>, %arg4: memref<128x128xf32, #tpu.memory_space<vmem>>, %arg5: memref<1x128xf32, #tpu.memory_space<vmem>>, %arg6: memref<1024x128xf32, #tpu.memory_space<vmem>>) attributes {dimension_semantics = [#tpu.dimension_semantics<arbitrary>], iteration_bounds = array<i64: 10>, scalar_prefetch = 0 : i64, scratch_operands = 0 : i64, tpu.core_type = #tpu.core_type<tc>, window_params = [{transform_indices = @transform_0, window_bounds = array<i64: 2, 16, 8, 128>}, {transform_indices = @transform_1, window_bounds = array<i64: 1024, 128>}, {pipeline_mode = #tpu.pipeline_mode<synchronous>, transform_indices = @transform_2, window_bounds = array<i64: 32, 128>}, {pipeline_mode = #tpu.pipeline_mode<synchronous>, transform_indices = @transform_3, window_bounds = array<i64: 128, 128>}, {pipeline_mode = #tpu.pipeline_mode<synchronous>, transform_indices = @transform_4, window_bounds = array<i64: 1, 128>}, {transform_indices = @transform_5, window_bounds = array<i64: 1024, 128>}]} {
    %get3A = arith.constant 0 : index
    %get3A_0 = arith.constant 0 : index
    %get3A_1 = vector.load %arg2[%get3A, %get3A_0] : memref<1024x128xf32, #tpu.memory_space<vmem>>, vector<1024x128xf32>
    %get3A_2 = arith.constant 0 : index
    %get3A_3 = arith.constant 0 : index
    %get3A_4 = vector.load %arg4[%get3A_2, %get3A_3] : memref<128x128xf32, #tpu.memory_space<vmem>>, vector<128x128xf32>
    %dot_general3A = arith.constant dense<0.000000e+00> : vector<1024x128xf32>
    %dot_general3A_5 = tpu.matmul %get3A_1, %get3A_4, %dot_general3A {dimension_numbers = #tpu.dot_dimension_numbers<[1], [0], [0], [1], [0, 0, 1, 1], [], []>, transpose_lhs_hint = false} : vector<1024x128xf32>, vector<128x128xf32>, vector<1024x128xf32> -> vector<1024x128xf32>
    %get3A_6 = arith.constant 0 : index
    %get3A_7 = arith.constant 0 : index
    %get3A_8 = vector.load %arg5[%get3A_6, %get3A_7] : memref<1x128xf32, #tpu.memory_space<vmem>>, vector<1x128xf32>
    %add3A = vector.broadcast %get3A_8 : vector<1x128xf32> to vector<1024x128xf32>
    %add3A_9 = arith.addf %dot_general3A_5, %add3A : vector<1024x128xf32>
    %get3A_10 = arith.constant 0 : index
    %get3A_11 = arith.constant 0 : index
    %get3A_12 = arith.constant 0 : index
    %get3A_13 = arith.constant 0 : index
    %get3A_14 = vector.load %arg1[%get3A_10, %get3A_11, %get3A_12, %get3A_13] : memref<2x16x8x128xf32, #tpu.memory_space<vmem>>, vector<2x16x8x128xf32>
    %reshape3A = vector.shape_cast %get3A_14 : vector<2x16x8x128xf32> to vector<32x8x128xf32>
    %slice3A = vector.extract_strided_slice %reshape3A {offsets = [0, 0, 0], sizes = [32, 1, 128], strides = [1, 1, 1]} : vector<32x8x128xf32> to vector<32x1x128xf32>
    %squeeze3A = vector.shape_cast %slice3A : vector<32x1x128xf32> to vector<32x128xf32>
    %get3A_15 = arith.constant 0 : index
    %get3A_16 = arith.constant 0 : index
    %get3A_17 = vector.load %arg3[%get3A_15, %get3A_16] : memref<32x128xf32, #tpu.memory_space<vmem>>, vector<32x128xf32>
    %dot_general3A_18 = arith.constant dense<0.000000e+00> : vector<128x128xf32>
    %dot_general3A_19 = tpu.matmul %squeeze3A, %get3A_17, %dot_general3A_18 {dimension_numbers = #tpu.dot_dimension_numbers<[0], [0], [1], [1], [0, 1, 1, 1], [], []>, transpose_lhs_hint = false} : vector<32x128xf32>, vector<32x128xf32>, vector<128x128xf32> -> vector<128x128xf32>
    %slice3A_20 = vector.extract_strided_slice %add3A_9 {offsets = [0, 0], sizes = [128, 128], strides = [1, 1]} : vector<1024x128xf32> to vector<128x128xf32>
    %add3A_21 = arith.addf %slice3A_20, %dot_general3A_19 : vector<128x128xf32>
    %swap3A = arith.constant 0 : index
    %swap3A_22 = arith.constant 0 : index
    %swap3A_23 = vector.load %arg6[%swap3A, %swap3A_22] : memref<1024x128xf32, #tpu.memory_space<vmem>>, vector<128x128xf32>
    tpu.vector_store %arg6[%swap3A, %swap3A_22], %add3A_21 {strides = array<i32>} : memref<1024x128xf32, #tpu.memory_space<vmem>>, vector<128x128xf32>,
    %slice3A_24 = vector.extract_strided_slice %reshape3A {offsets = [0, 1, 0], sizes = [32, 1, 128], strides = [1, 1, 1]} : vector<32x8x128xf32> to vector<32x1x128xf32>
    %squeeze3A_25 = vector.shape_cast %slice3A_24 : vector<32x1x128xf32> to vector<32x128xf32>
    %get3A_26 = arith.constant 0 : index
    %get3A_27 = arith.constant 0 : index
    %get3A_28 = vector.load %arg3[%get3A_26, %get3A_27] : memref<32x128xf32, #tpu.memory_space<vmem>>, vector<32x128xf32>
    %dot_general3A_29 = arith.constant dense<0.000000e+00> : vector<128x128xf32>
    %dot_general3A_30 = tpu.matmul %squeeze3A_25, %get3A_28, %dot_general3A_29 {dimension_numbers = #tpu.dot_dimension_numbers<[0], [0], [1], [1], [0, 1, 1, 1], [], []>, transpose_lhs_hint = false} : vector<32x128xf32>, vector<32x128xf32>, vector<128x128xf32> -> vector<128x128xf32>
    %slice3A_31 = vector.extract_strided_slice %add3A_9 {offsets = [128, 0], sizes = [128, 128], strides = [1, 1]} : vector<1024x128xf32> to vector<128x128xf32>
    %add3A_32 = arith.addf %slice3A_31, %dot_general3A_30 : vector<128x128xf32>
    %swap3A_33 = arith.constant 128 : index
    %swap3A_34 = arith.constant 0 : index
    %swap3A_35 = vector.load %arg6[%swap3A_33, %swap3A_34] : memref<1024x128xf32, #tpu.memory_space<vmem>>, vector<128x128xf32>
    tpu.vector_store %arg6[%swap3A_33, %swap3A_34], %add3A_32 {strides = array<i32>} : memref<1024x128xf32, #tpu.memory_space<vmem>>, vector<128x128xf32>,
    %slice3A_36 = vector.extract_strided_slice %reshape3A {offsets = [0, 2, 0], sizes = [32, 1, 128], strides = [1, 1, 1]} : vector<32x8x128xf32> to vector<32x1x128xf32>
    %squeeze3A_37 = vector.shape_cast %slice3A_36 : vector<32x1x128xf32> to vector<32x128xf32>
    %get3A_38 = arith.constant 0 : index
    %get3A_39 = arith.constant 0 : index
    %get3A_40 = vector.load %arg3[%get3A_38, %get3A_39] : memref<32x128xf32, #tpu.memory_space<vmem>>, vector<32x128xf32>
    %dot_general3A_41 = arith.constant dense<0.000000e+00> : vector<128x128xf32>
    %dot_general3A_42 = tpu.matmul %squeeze3A_37, %get3A_40, %dot_general3A_41 {dimension_numbers = #tpu.dot_dimension_numbers<[0], [0], [1], [1], [0, 1, 1, 1], [], []>, transpose_lhs_hint = false} : vector<32x128xf32>, vector<32x128xf32>, vector<128x128xf32> -> vector<128x128xf32>
    %slice3A_43 = vector.extract_strided_slice %add3A_9 {offsets = [256, 0], sizes = [128, 128], strides = [1, 1]} : vector<1024x128xf32> to vector<128x128xf32>
    %add3A_44 = arith.addf %slice3A_43, %dot_general3A_42 : vector<128x128xf32>
    %swap3A_45 = arith.constant 256 : index
    %swap3A_46 = arith.constant 0 : index
    %swap3A_47 = vector.load %arg6[%swap3A_45, %swap3A_46] : memref<1024x128xf32, #tpu.memory_space<vmem>>, vector<128x128xf32>
    tpu.vector_store %arg6[%swap3A_45, %swap3A_46], %add3A_44 {strides = array<i32>} : memref<1024x128xf32, #tpu.memory_space<vmem>>, vector<128x128xf32>,
    %slice3A_48 = vector.extract_strided_slice %reshape3A {offsets = [0, 3, 0], sizes = [32, 1, 128], strides = [1, 1, 1]} : vector<32x8x128xf32> to vector<32x1x128xf32>
    %squeeze3A_49 = vector.shape_cast %slice3A_48 : vector<32x1x128xf32> to vector<32x128xf32>
    %get3A_50 = arith.constant 0 : index
    %get3A_51 = arith.constant 0 : index
    %get3A_52 = vector.load %arg3[%get3A_50, %get3A_51] : memref<32x128xf32, #tpu.memory_space<vmem>>, vector<32x128xf32>
    %dot_general3A_53 = arith.constant dense<0.000000e+00> : vector<128x128xf32>
    %dot_general3A_54 = tpu.matmul %squeeze3A_49, %get3A_52, %dot_general3A_53 {dimension_numbers = #tpu.dot_dimension_numbers<[0], [0], [1], [1], [0, 1, 1, 1], [], []>, transpose_lhs_hint = false} : vector<32x128xf32>, vector<32x128xf32>, vector<128x128xf32> -> vector<128x128xf32>
    %slice3A_55 = vector.extract_strided_slice %add3A_9 {offsets = [384, 0], sizes = [128, 128], strides = [1, 1]} : vector<1024x128xf32> to vector<128x128xf32>
    %add3A_56 = arith.addf %slice3A_55, %dot_general3A_54 : vector<128x128xf32>
    %swap3A_57 = arith.constant 384 : index
    %swap3A_58 = arith.constant 0 : index
    %swap3A_59 = vector.load %arg6[%swap3A_57, %swap3A_58] : memref<1024x128xf32, #tpu.memory_space<vmem>>, vector<128x128xf32>
    tpu.vector_store %arg6[%swap3A_57, %swap3A_58], %add3A_56 {strides = array<i32>} : memref<1024x128xf32, #tpu.memory_space<vmem>>, vector<128x128xf32>,
    %slice3A_60 = vector.extract_strided_slice %reshape3A {offsets = [0, 4, 0], sizes = [32, 1, 128], strides = [1, 1, 1]} : vector<32x8x128xf32> to vector<32x1x128xf32>
    %squeeze3A_61 = vector.shape_cast %slice3A_60 : vector<32x1x128xf32> to vector<32x128xf32>
    %get3A_62 = arith.constant 0 : index
    %get3A_63 = arith.constant 0 : index
    %get3A_64 = vector.load %arg3[%get3A_62, %get3A_63] : memref<32x128xf32, #tpu.memory_space<vmem>>, vector<32x128xf32>
    %dot_general3A_65 = arith.constant dense<0.000000e+00> : vector<128x128xf32>
    %dot_general3A_66 = tpu.matmul %squeeze3A_61, %get3A_64, %dot_general3A_65 {dimension_numbers = #tpu.dot_dimension_numbers<[0], [0], [1], [1], [0, 1, 1, 1], [], []>, transpose_lhs_hint = false} : vector<32x128xf32>, vector<32x128xf32>, vector<128x128xf32> -> vector<128x128xf32>
    %slice3A_67 = vector.extract_strided_slice %add3A_9 {offsets = [512, 0], sizes = [128, 128], strides = [1, 1]} : vector<1024x128xf32> to vector<128x128xf32>
    %add3A_68 = arith.addf %slice3A_67, %dot_general3A_66 : vector<128x128xf32>
    %swap3A_69 = arith.constant 512 : index
    %swap3A_70 = arith.constant 0 : index
    %swap3A_71 = vector.load %arg6[%swap3A_69, %swap3A_70] : memref<1024x128xf32, #tpu.memory_space<vmem>>, vector<128x128xf32>
    tpu.vector_store %arg6[%swap3A_69, %swap3A_70], %add3A_68 {strides = array<i32>} : memref<1024x128xf32, #tpu.memory_space<vmem>>, vector<128x128xf32>,
    %slice3A_72 = vector.extract_strided_slice %reshape3A {offsets = [0, 5, 0], sizes = [32, 1, 128], strides = [1, 1, 1]} : vector<32x8x128xf32> to vector<32x1x128xf32>
    %squeeze3A_73 = vector.shape_cast %slice3A_72 : vector<32x1x128xf32> to vector<32x128xf32>
    %get3A_74 = arith.constant 0 : index
    %get3A_75 = arith.constant 0 : index
    %get3A_76 = vector.load %arg3[%get3A_74, %get3A_75] : memref<32x128xf32, #tpu.memory_space<vmem>>, vector<32x128xf32>
    %dot_general3A_77 = arith.constant dense<0.000000e+00> : vector<128x128xf32>
    %dot_general3A_78 = tpu.matmul %squeeze3A_73, %get3A_76, %dot_general3A_77 {dimension_numbers = #tpu.dot_dimension_numbers<[0], [0], [1], [1], [0, 1, 1, 1], [], []>, transpose_lhs_hint = false} : vector<32x128xf32>, vector<32x128xf32>, vector<128x128xf32> -> vector<128x128xf32>
    %slice3A_79 = vector.extract_strided_slice %add3A_9 {offsets = [640, 0], sizes = [128, 128], strides = [1, 1]} : vector<1024x128xf32> to vector<128x128xf32>
    %add3A_80 = arith.addf %slice3A_79, %dot_general3A_78 : vector<128x128xf32>
    %swap3A_81 = arith.constant 640 : index
    %swap3A_82 = arith.constant 0 : index
    %swap3A_83 = vector.load %arg6[%swap3A_81, %swap3A_82] : memref<1024x128xf32, #tpu.memory_space<vmem>>, vector<128x128xf32>
    tpu.vector_store %arg6[%swap3A_81, %swap3A_82], %add3A_80 {strides = array<i32>} : memref<1024x128xf32, #tpu.memory_space<vmem>>, vector<128x128xf32>,
    %slice3A_84 = vector.extract_strided_slice %reshape3A {offsets = [0, 6, 0], sizes = [32, 1, 128], strides = [1, 1, 1]} : vector<32x8x128xf32> to vector<32x1x128xf32>
    %squeeze3A_85 = vector.shape_cast %slice3A_84 : vector<32x1x128xf32> to vector<32x128xf32>
    %get3A_86 = arith.constant 0 : index
    %get3A_87 = arith.constant 0 : index
    %get3A_88 = vector.load %arg3[%get3A_86, %get3A_87] : memref<32x128xf32, #tpu.memory_space<vmem>>, vector<32x128xf32>
    %dot_general3A_89 = arith.constant dense<0.000000e+00> : vector<128x128xf32>
    %dot_general3A_90 = tpu.matmul %squeeze3A_85, %get3A_88, %dot_general3A_89 {dimension_numbers = #tpu.dot_dimension_numbers<[0], [0], [1], [1], [0, 1, 1, 1], [], []>, transpose_lhs_hint = false} : vector<32x128xf32>, vector<32x128xf32>, vector<128x128xf32> -> vector<128x128xf32>
    %slice3A_91 = vector.extract_strided_slice %add3A_9 {offsets = [768, 0], sizes = [128, 128], strides = [1, 1]} : vector<1024x128xf32> to vector<128x128xf32>
    %add3A_92 = arith.addf %slice3A_91, %dot_general3A_90 : vector<128x128xf32>
    %swap3A_93 = arith.constant 768 : index
    %swap3A_94 = arith.constant 0 : index
    %swap3A_95 = vector.load %arg6[%swap3A_93, %swap3A_94] : memref<1024x128xf32, #tpu.memory_space<vmem>>, vector<128x128xf32>
    tpu.vector_store %arg6[%swap3A_93, %swap3A_94], %add3A_92 {strides = array<i32>} : memref<1024x128xf32, #tpu.memory_space<vmem>>, vector<128x128xf32>,
    %slice3A_96 = vector.extract_strided_slice %reshape3A {offsets = [0, 7, 0], sizes = [32, 1, 128], strides = [1, 1, 1]} : vector<32x8x128xf32> to vector<32x1x128xf32>
    %squeeze3A_97 = vector.shape_cast %slice3A_96 : vector<32x1x128xf32> to vector<32x128xf32>
    %get3A_98 = arith.constant 0 : index
    %get3A_99 = arith.constant 0 : index
    %get3A_100 = vector.load %arg3[%get3A_98, %get3A_99] : memref<32x128xf32, #tpu.memory_space<vmem>>, vector<32x128xf32>
    %dot_general3A_101 = arith.constant dense<0.000000e+00> : vector<128x128xf32>
    %dot_general3A_102 = tpu.matmul %squeeze3A_97, %get3A_100, %dot_general3A_101 {dimension_numbers = #tpu.dot_dimension_numbers<[0], [0], [1], [1], [0, 1, 1, 1], [], []>, transpose_lhs_hint = false} : vector<32x128xf32>, vector<32x128xf32>, vector<128x128xf32> -> vector<128x128xf32>
    %slice3A_103 = vector.extract_strided_slice %add3A_9 {offsets = [896, 0], sizes = [128, 128], strides = [1, 1]} : vector<1024x128xf32> to vector<128x128xf32>
    %add3A_104 = arith.addf %slice3A_103, %dot_general3A_102 : vector<128x128xf32>
    %swap3A_105 = arith.constant 896 : index
    %swap3A_106 = arith.constant 0 : index
    %swap3A_107 = vector.load %arg6[%swap3A_105, %swap3A_106] : memref<1024x128xf32, #tpu.memory_space<vmem>>, vector<128x128xf32>
    tpu.vector_store %arg6[%swap3A_105, %swap3A_106], %add3A_104 {strides = array<i32>} : memref<1024x128xf32, #tpu.memory_space<vmem>>, vector<128x128xf32>,
    return
  }
  func.func @transform_0(%arg0: i32) -> (i32, i32, i32, i32) {
    %c0_i32 = arith.constant 0 : i32
    %c0_i32_0 = arith.constant 0 : i32
    %c0_i32_1 = arith.constant 0 : i32
    %c0_i32_2 = arith.constant 0 : i32
    return %c0_i32, %c0_i32_0, %arg0, %c0_i32_1 : i32, i32, i32, i32
  }
  func.func @transform_1(%arg0: i32) -> (i32, i32) {
    %c0_i32 = arith.constant 0 : i32
    %c0_i32_0 = arith.constant 0 : i32
    return %arg0, %c0_i32 : i32, i32
  }
  func.func @transform_2(%arg0: i32) -> (i32, i32) {
    %c0_i32 = arith.constant 0 : i32
    %c0_i32_0 = arith.constant 0 : i32
    %c0_i32_1 = arith.constant 0 : i32
    return %c0_i32, %c0_i32_0 : i32, i32
  }
  func.func @transform_3(%arg0: i32) -> (i32, i32) {
    %c0_i32 = arith.constant 0 : i32
    %c0_i32_0 = arith.constant 0 : i32
    %c0_i32_1 = arith.constant 0 : i32
    return %c0_i32, %c0_i32_0 : i32, i32
  }
  func.func @transform_4(%arg0: i32) -> (i32, i32) {
    %c0_i32 = arith.constant 0 : i32
    %c0_i32_0 = arith.constant 0 : i32
    %c0_i32_1 = arith.constant 0 : i32
    return %c0_i32, %c0_i32_0 : i32, i32
  }
  func.func @transform_5(%arg0: i32) -> (i32, i32) {
    %c0_i32 = arith.constant 0 : i32
    %c0_i32_0 = arith.constant 0 : i32
    return %arg0, %c0_i32 : i32, i32
  }
}

</mosaic_0001>

<sc_bundles>
// kernel: kernel.4.cloned.1.call-start
scs
__scs_entry_jumppad:
0x0: {  	(pc) =	sbr.rel $0x88, $3  }
0x1: {  	(tag) =	ssettag $0x0;
	lr =	simm.s32 $0x1  }
0x2: {  	[smem:$0x3F9C] =	sst lr;
	_ =	strace $0xD0000000  }
0x3: {  	_ = 	snop  }
0x4: {  	_ = 	snop  }
0x5: {  	_ = 	snop  }
0x6: {  	_ = 	snop  }
0x7: {  	_ = 	snop  }
__scs_overlays_trampoline_lowered:
0x8: {  	[smem:$0x3FAB] =	sst s0  }
0x9: {  	[smem:$0x3FAC] =	sst s1  }
0xa: {  	[smem:$0x3FAD] =	sst s2  }
0xb: {  	[smem:$0x3FAE] =	sst s3  }
0xc: {  	[smem:$0x3FAF] =	sst s4  }
0xd: {  	[smem:$0x3FB0] =	sst s5  }
0xe: {  	[smem:$0x3FB1] =	sst s6  }
0xf: {  	[smem:$0x3FB2] =	sst s7  }
0x10: {  	[smem:$0x3FB3] =	sst s8  }
0x11: {  	[smem:$0x3FB4] =	sst s9;
	s0 =	simm.s32 @!p0 $0x0  }
0x12: {  	s1 =	sld [smem:$0x3F9A];
	s0 =	simm.s32 @p0 $0x1  }
0x13: {  	[smem:$0x3FB5] =	sst s0;
	s0 =	simm.s32 @!p1 $0x0  }
0x14: {  	s2 =	sld [smem:$0x3F99];
	s0 =	simm.s32 @p1 $0x1  }
0x15: {  	[smem:$0x3FB6] =	sst s0;
	s0 =	simm.s32 @!p2 $0x0  }
0x16: {  	s3 =	sld [smem:$0x3FDB];
	s0 =	simm.s32 @p2 $0x1  }
0x17: {  	s4 =	simm.s32 $0x1BF5;
	[smem:$0x3FB8] =	sst s0  }
0x18: {  	s0 =	sld [smem:$0x3F9B];
	_ =	swait.ge [sflag:s4], $0x0  }
0x19: {  	s7 =	sld [smem:$0x3F9C]  }
0x1a: {  	s8 =	sadd.s32 $0xFFFFE003, lr  }
0x1b: {  	s9 =	sadd.s32 $0xFFFFFEF7, lr;
	s5 =	simm.s32 $0xFFFFFFFF;
	p2 =	slt.u32 s8, $0xFFFFF086  }
0x1c: {  	p1 =	slt.u32 s9, $0xF7A;
	s5 =	simm.s32 @!p2 $0x0  }
0x1d: {  	s5 =	simm.s32 @p1 $0x1;
	p0 =	seq.s32 s7, s2  }
0x1e: {  	s7 =	smul.u32 @!p0 $0xF7A, s2;
	p2 =	seq.s32 @!p0 s5, $0x0  }
0x1f: {  	s9 =	smul.u32 $0xF7A, s1;
	s8 =	simm.s32 @!p0 $0x1BF5;
	p2 =	por !p2, p0  }
0x20: {  	[sflag:s8] =	ssyncset.s32 @!p0 $0xFFFFF086;
	s6 =	sadd.s32 @!p0 s3, s7;
	s7 =	simm.s32 @!p0 $0x108  }
0x21: {  	s3 =	sadd.s32 s3, s9;
	s6 =	sadd.s32 @!p0 $0x88, s6;
	s7 =	simm.s32 @p2 $0x1082  }
0x22: {  	[simem:s7], [sflag:s8] =	dma.local @!p0 [hbm:s6], $0xF7A  }
0x23: {  	s9 =	sor.u32 $0xD0000000, s2;
	s6 =	simm.s32 $0x108;
	_ =	swait.ge @!p0 [sflag:s8], $0x0  }
0x24: {  	s3 =	sadd.s32 $0x88, s3;
	s6 =	simm.s32 @!p1 $0x1082;
	[sflag:s4] =	ssyncset.s32 $0xFFFFF086  }
0x25: {  	[simem:s6], [sflag:s4] =	dma.local [hbm:s3], $0xF7A  }
0x26: {  	[smem:$0x3F9C] =	sst s1;
	(tag) =	ssettag s2;
	_ =	strace s9  }
0x27: {  	s1 =	sld [smem:$0x3FAC]  }
0x28: {  	s2 =	sld [smem:$0x3FAD]  }
0x29: {  	s4 =	sld [smem:$0x3FAF]  }
0x2a: {  	p0 =	seq.s32 s5, $0x0;
	s5 =	sld [smem:$0x3FB0]  }
0x2b: {  	s6 =	sld [smem:$0x3FB1]  }
0x2c: {  	s7 =	sld [smem:$0x3FB2]  }
0x2d: {  	s3 =	simm.s32 $0x108;
	s8 =	sld [smem:$0x3FB3]  }
0x2e: {  	s3 =	simm.s32 @!p0 $0x1082;
	s9 =	sld [smem:$0x3FB4]  }
0x2f: {  	lr =	sadd.s32 s0, s3;
	s0 =	sld [smem:$0x3FAB]  }
0x30: {  	s3 =	sld [smem:$0x3FAE]  }
0x31: {  	[smem:$0x3FB7] =	sst s10  }
0x32: {  	s10 =	sld [smem:$0x3FB5];
	_ =	sdelay $0x3  }
0x33: {  	p0 =	seq.s32 s10, $0x1;
	s10 =	sld [smem:$0x3FB7];
	_ =	sdelay $0x3  }
0x34: {  	[smem:$0x3FB7] =	sst s10  }
0x35: {  	s10 =	sld [smem:$0x3FB6];
	_ =	sdelay $0x3  }
0x36: {  	p1 =	seq.s32 s10, $0x1;
	s10 =	sld [smem:$0x3FB7];
	_ =	sdelay $0x3  }
0x37: {  	[smem:$0x3FB7] =	sst s10  }
0x38: {  	s10 =	sld [smem:$0x3FB8]  }
0x39: {  	_ = 	snop;
	(pc) =	sbr.ind lr, $3  }
0x3a: {  	_ = 	snop  }
0x3b: {  	_ = 	snop  }
0x3c: {  	p2 =	seq.s32 s10, $0x1;
	s10 =	sld [smem:$0x3FB7]  }
0x3d: {  	_ =	shalt  }
0x3e: {  	_ =	shalt  }
0x3f: {  	_ =	shalt  }
0x40: {  	_ =	shalt  }
0x41: {  	_ =	shalt  }
0x42: {  	_ =	shalt  }
0x43: {  	_ =	shalt  }
0x44: {  	_ =	shalt  }
0x45: {  	_ =	shalt  }
0x46: {  	_ =	shalt  }
0x47: {  	_ =	shalt  }
0x48: {  	_ =	shalt  }
0x49: {  	_ =	shalt  }
0x4a: {  	_ =	shalt  }
0x4b: {  	_ =	shalt  }
0x4c: {  	_ =	shalt  }
0x4d: {  	_ =	shalt  }
0x4e: {  	_ =	shalt  }
0x4f: {  	_ =	shalt  }
0x50: {  	_ =	shalt  }
0x51: {  	_ =	shalt  }
0x52: {  	_ =	shalt  }
0x53: {  	_ =	shalt  }
0x54: {  	_ =	shalt  }
0x55: {  	_ =	shalt  }
0x56: {  	_ =	shalt  }
0x57: {  	_ =	shalt  }
0x58: {  	_ =	shalt  }
0x59: {  	_ =	shalt  }
0x5a: {  	_ =	shalt  }
0x5b: {  	_ =	shalt  }
0x5c: {  	_ =	shalt  }
0x5d: {  	_ =	shalt  }
0x5e: {  	_ =	shalt  }
0x5f: {  	_ =	shalt  }
0x60: {  	_ =	shalt  }
0x61: {  	_ =	shalt  }
0x62: {  	_ =	shalt  }
0x63: {  	_ =	shalt  }
0x64: {  	_ =	shalt  }
0x65: {  	_ =	shalt  }
0x66: {  	_ =	shalt  }
0x67: {  	_ =	shalt  }
0x68: {  	_ =	shalt  }
0x69: {  	_ =	shalt  }
0x6a: {  	_ =	shalt  }
0x6b: {  	_ =	shalt  }
0x6c: {  	_ =	shalt  }
0x6d: {  	_ =	shalt  }
0x6e: {  	_ =	shalt  }
0x6f: {  	_ =	shalt  }
0x70: {  	_ =	shalt  }
0x71: {  	_ =	shalt  }
0x72: {  	_ =	shalt  }
0x73: {  	_ =	shalt  }
0x74: {  	_ =	shalt  }
0x75: {  	_ =	shalt  }
0x76: {  	_ =	shalt  }
0x77: {  	_ =	shalt  }
0x78: {  	_ =	shalt  }
0x79: {  	_ =	shalt  }
0x7a: {  	_ =	shalt  }
0x7b: {  	_ =	shalt  }
0x7c: {  	_ =	shalt  }
0x7d: {  	_ =	shalt  }
0x7e: {  	_ =	shalt  }
0x7f: {  	_ =	shalt  }
0x80: {  	_ =	shalt  }
0x81: {  	_ =	shalt  }
0x82: {  	_ =	shalt  }
0x83: {  	_ =	shalt  }
0x84: {  	_ =	shalt  }
0x85: {  	_ =	shalt  }
0x86: {  	_ =	shalt  }
0x87: {  	_ =	shalt  }
.Lfunc_end0:
.L_simem_size_0:
called_computation_lowered:
.L_overlay_start_0:
0x88: {  	s2 =	sld [smem:$0x3FD9]  }
0x89: {  	s3 =	sld [smem:$0x3FFE];
	_ =	sdelay $0x1  }
0x8a: {  	s1 =	srdreg.scid  }
0x8b: {  	s0 =	sand.u32 $0x1, s1  }
0x8c: {  	s18 =	sshll.u32 s0, $0xA;
	s2 =	sadd.s32 s3, s2  }
0x8d: {  	s2 =	sadd.s32 s2, s18  }
0x8e: {  	[smem:$0x3FC3] =	sst s2  }
0x8f: {  	_ = 	snop  }
0x90: {  	s2 =	sld [smem:$0x3FC8]  }
0x91: {  	s19 =	sld [smem:$0x3FC5]  }
0x92: {  	s4 =	sld [smem:$0x3FD0];
	(tm) =	ssettm $0x1  }
0x93: {  	s5 =	sld [smem:$0x3FFB];
	_ =	sdelay $0x3  }
0x94: {  	_ =	strace s5  }
0x95: {  	s5 =	sld [smem:$0x3FFC];
	_ =	sdelay $0x3  }
0x96: {  	_ =	strace s5  }
0x97: {  	s5 =	sld [smem:$0x3FFD];
	_ =	sdelay $0x3  }
0x98: {  	_ =	strace s5  }
0x99: {  	_ =	strace $0x8FFFFFFF  }
0x9a: {  	s20 =	sld [smem:$0x3FDB];
	_ =	sdelay $0x1  }
0x9b: {  	s6 =	simm.s32 $_scs_section_size  }
0x9c: {  	s7 =	simm.s32 $_size__tile_overlayer_lowered;
	s8 =	simm.s32 $_tile_overlayer_lowered  }
0x9d: {  	s23 =	simm.s32 $0x1BFF;
	s22 =	sshll.u32 s8, $0x1;
	s5 =	sadd.s32 s6, s20  }
0x9e: {  	s9 =	simm.s32 $0x0;
	s21 =	sshll.u32 s7, $0x1;
	s7 =	sadd.s32 s22, s5  }
0x9f: {  	[timem:s9], [sflag:s23] =	dma.local [hbm:s7], s21  }
0xa0: {  	_ =	swait.ge [sflag:s23], s21  }
0xa1: {  	s6 =	ssub.s32 $0x0, s21;
	[sflag:s23] =	ssyncset.done $0x0  }
0xa2: {  	[sflag:s23] =	ssyncadd.s32 s6;
	_ =	sdelay $0x1  }
0xa3: {  	s24 =	simm.s32 $0x1B8B  }
0xa4: {  	_ =	swait.ge [sflag:s24], $0x1  }
0xa5: {  	[sflag:s24] =	ssyncset.done $0x0  }
0xa6: {  	s25 =	simm.s32 $0x1B8E;
	[sflag:s24] =	ssyncadd.s32 $0xFFFFFFFF  }
0xa7: {  	s26 =	simm.s32 $execute0_lowered;
	[smem:$0x3FD2] =	sst s25  }
0xa8: {  	s6 =	sshll.u32 s26, $0x1;
	_ =	strace $0x80000046;
	[dreg:$0x1] =	wrdreg $0xFFFFFFFF  }
0xa9: {  	s28 =	simm.s32 $_size_execute0_lowered;
	s5 =	sadd.s32 s5, s6;
	[dreg:$0x0] =	wrdreg $0x0  }
0xaa: {  	s6 =	sshll.u32 s28, $0x1;
	[dreg:$0x2] =	wrdreg s5  }
0xab: {  	[dreg:$0x3] =	wrdreg s6  }
0xac: {  	[dreg:$0x4] =	wrdreg $0xC0  }
0xad: {  	_ =	task [dreg:s9], $0x5FFFF  }
0xae: {  	[dreg:$0x1] =	wrdreg $0xFFFFFFFF  }
0xaf: {  	[dreg:$0x0] =	wrdreg $0x60  }
0xb0: {  	[dreg:$0x2] =	wrdreg s2  }
0xb1: {  	[dreg:$0x3] =	wrdreg s19  }
0xb2: {  	[dreg:$0x4] =	wrdreg s4  }
0xb3: {  	[dreg:$0x5] =	wrdreg $0x0  }
0xb4: {  	[dreg:$0x6] =	wrdreg $0x9  }
0xb5: {  	_ =	task.clear_ibuf [dreg:s9], $0x7FFFF;
	_ =	strace $0x90000046  }
0xb6: {  	s29 =	simm.s32 $0x9;
	_ =	strace $0x80000048  }
0xb7: {  	_ =	swait.ge [sflag:s29], $0x1  }
0xb8: {  	[sflag:s29] =	ssyncadd.s32 $0xFFFFFFFF  }
0xb9: {  	_ =	strace $0x90000048  }
0xba: {  	_ =	sfence  }
0xbb: {  	s30 =	sld [smem:$0x0];
	_ =	sdelay $0x2  }
0xbc: {  	s31 =	sshll.u32 s1, $0xD;
	s1 =	sshrl.u32 s1, $0x2  }
0xbd: {  	s3 =	sand.u32 $0x4000, s31;
	s1 =	sadd.s32 s1, s30  }
0xbe: {  	s0 =	sor.u32 s3, s0;
	s1 =	sshll.u32 s1, $0x11  }
0xbf: {  	s0 =	sor.u32 s1, s0  }
0xc0: {  	s0 =	sadd.s32 $0x8F2B, s0  }
0xc1: {  	[sflag:s0] =	ssyncadd.remote.s32 $0x1  }
0xc2: {  	_ =	sfence.sel $0xFFFF  }
0xc3: {  	[dreg:$0x0] =	wrdreg $0xFFFFFFFF;
	(pc) =	sbr.abs _section_cstart, $3  }
0xc4: {  	[dreg:$0x1] =	wrdreg $0xFFFFFFFF  }
0xc5: {  	_ =	task.clear_ibuf [dreg:s9], $0x2FFFF;
	_ =	strace $0x9FFFFFFF  }
0xc6: {  	(tm) =	ssettm $0x7FFFFFFF  }
0xc7: {  	_ =	shalt  }
tec
execute0_lowered:
.L_overlay_start_1:
0x0: {  	(tag) =	ssettag $0x1  }
0x1: {  	s1 =	rddreg [dreg:$0x0]  }
0x2: {  	s9 =	rddreg [dreg:$0x2]  }
0x3: {  	s11 =	rddreg [dreg:$0x3];
	s3 =	simm.s32 $0x0;
	s10 =	stileid.u32  }
0x4: {  	s4 =	srdreg.scid;
	s15 =	simm.s32 $0x100;
	s16 =	simm.s32 $0x11940  }
0x5: {  	s17 =	simm.s32 $0xDAC0;
	s18 =	simm.s32 $0x157C0;
	s19 =	simm.s32 $0x1  }
0x6: {  	s20 =	simm.s32 $0x3;
	s21 =	simm.s32 $0x19640;
	s22 =	simm.s32 $0x2  }
0x7: {  	s23 =	simm.s32 $0x4;
	s24 =	simm.s32 $0x1BE40;
	s25 =	simm.s32 $0x5  }
0x8: {  	s26 =	simm.s32 $0x0;
	[smem:$0x7FF] =	sst s3;
	s5 =	sshrl.u32 s10, $0x3  }
0x9: {  	s6 =	sand.u32 $0x1, s4;
	s30 =	sshll.u32 s10, $0x7;
	s13 =	smul.u32 $0x2800, s10  }
0xa: {  	p0 =	sne.s32 s10, $0x0;
	s29 =	smul.u32 $0x271000, s5;
	_ =	strace $0x80000047  }
0xb: {  	s7 =	ssub.s32 $0x2, s6;
	s12 =	smul.u32 $0x28000, s6;
	s6 =	sshll.u32 s6, $0x7  }
0xc: {  	s5 =	sand.u32 $0x380, s30;
	s8 =	sshrl.u32 s7, $0x1;
	s31 =	ssub.s32 s11, s6  }
0xd: {  	s11 =	sshrl.u32 @!p0 s11, $0x3;
	s4 =	sor.u32 s5, s29;
	s14 =	ssub.s32 s7, s8  }
0xe: {  	s6 =	sadd.s32 $0x80, s31;
	s12 =	sadd.s32 s13, s12;
	s8 =	sadd.s32 $0x7D80, s31  }
0xf: {  	s13 =	simm.s32 $0x400;
	s5 =	sshrl.u32 s4, $0x3;
	s12 =	sshrl.u32 s12, $0x3  }
0x10: {  	s10 =	smax.u32 s14, $0x1;
	s14 =	simm.s32 $0x9C40;
	s5 =	sadd.s32 s1, s5  }
0x11: {  	v0 =	vimm.f32 $0.0e+00;
	s9 =	sadd.s32 s9, s12;
	s12 =	simm.s32 $0x80;
	s7 =	sadd.s32 $0x3E80, s5  }
.LBB2_1:
0x12: {  	s28 =	simm.s32 @!p0 $0x1C05;
	s0 =	rddreg [dreg:$0x1]  }
0x13: {  	[spmem:s11], [sflag:s28] =	dma.local @!p0 [hbm:s0], $0x13880  }
0x14: {  	s28 =	simm.s32 @!p0 $0x5  }
0x15: {  	_ =	swait.ge @!p0 [sflag:s28], $0x13880  }
0x16: {  	[sflag:s28] =	ssyncset.done @!p0 $0x0  }
0x17: {  	s29 =	simm.s32 $0x0;
	[sflag:s28] =	ssyncadd.s32 @!p0 $0xFFFEC780;
	s28 =	simm.s32 $0x40  }
.LBB2_2:
0x18: {  	p1 =	sne.s32 s28, $0x9FC0;
	[tilespmem:s29+$0x19640] =	vst v0;
	s29 =	smov.u32 s28;
	s28 =	sadd.s32 $0x40, s28  }
.Ltmp0:
0x19: {  	(pc) =	sbr.rel @p1 .LBB2_2-.Ltmp0, $2  }
0x1a: {  	_ =	sdelay $0x2  }
0x1b: {  	s29 =	sshra.s32 s29, $0x2  }
0x1c: {  	[tilespmem:s29+$0x19640] =	vst v0  }
0x1d: {  	[bflag:$0x0] =	sbarrier.arrive $0xFFFF  }
0x1e: {  	[tilespmem:s14], [sflag:$0x1] =	stream.strided.gather [hbm4b:s5+s12], $0x3E80, s13, s12, $0x38;
	[tilespmem:$0x1E640] =	vst v63  }
0x1f: {  	_ = 	snop  }
0x20: {  	[tilespmem:s16], [sflag:$0x3] =	stream.strided.gather [spmem:s6], $0x3E80, s15, s12, $0x38;
	[tilespmem:$0x1E640] =	vst v63  }
0x21: {  	_ = 	snop  }
0x22: {  	[tilespmem:s17], [sflag:$0x2] =	stream.strided.gather [hbm4b:s7+s12], $0x3E80, s13, s12, $0x38;
	[tilespmem:$0x1E640] =	vst v63  }
0x23: {  	s28 =	simm.s32 $0x0  }
0x24: {  	[tilespmem:s18], [sflag:$0x4] =	stream.strided.gather [spmem:s8], $0x3E80, s15, s12, $0x38;
	[tilespmem:$0x1E640] =	vst v63  }
.LBB2_4:
0x25: {  	_ =	swait.ge [sflag:s19], $0x3E80  }
0x26: {  	[sflag:s19] =	ssyncset.done $0x0  }
0x27: {  	[sflag:s19] =	ssyncadd.s32 $0xFFFFC180  }
0x28: {  	_ =	swait.ge [sflag:s20], $0x3E80  }
0x29: {  	[sflag:s20] =	ssyncset.done $0x0  }
0x2a: {  	s29 =	simm.s32 $0x0;
	[sflag:s20] =	ssyncadd.s32 $0xFFFFC180  }
0x2b: {  	v5 =	vld [tilespmem:s29+$0x11990]  }
0x2c: {  	v6 =	vld [tilespmem:s29+$0x11960]  }
0x2d: {  	v7 =	vld [tilespmem:s29+$0x11970]  }
0x2e: {  	v8 =	vld [tilespmem:s29+$0x11980]  }
0x2f: {  	v9 =	vld [tilespmem:s29+$0x9C50]  }
0x30: {  	v10 =	vld [tilespmem:s29+$0x9C40]  }
0x31: {  	v11 =	vld [tilespmem:s29+$0x9C60]  }
0x32: {  	v12 =	vld [tilespmem:s29+$0x11950]  }
0x33: {  	v13 =	vld [tilespmem:s29+$0x11940]  }
0x34: {  	v1 =	vld [tilespmem:s29+$0x119B0]  }
0x35: {  	v14 =	vld [tilespmem:s29+$0x9C70]  }
0x36: {  	v15 =	vld [tilespmem:s29+$0x9C80]  }
0x37: {  	v16 =	vld [tilespmem:s29+$0x9C90]  }
0x38: {  	v2 =	vld [tilespmem:s29+$0x9CA0]  }
0x39: {  	v4 =	vld [tilespmem:s29+$0x119A0]  }
0x3a: {  	v3 =	vld [tilespmem:s29+$0x9CB0]  }
0x3b: {  	[tilespmem:v13+s21+$0x0] =	vst.idx.add.f32.msk $0xffff, v10  }
0x3c: {  	[tilespmem:v12+s21+$0x0] =	vst.idx.add.f32.msk $0xffff, v9  }
0x3d: {  	[tilespmem:v6+s21+$0x0] =	vst.idx.add.f32.msk $0xffff, v11  }
0x3e: {  	[tilespmem:v7+s21+$0x0] =	vst.idx.add.f32.msk $0xffff, v14  }
0x3f: {  	[tilespmem:v8+s21+$0x0] =	vst.idx.add.f32.msk $0xffff, v15  }
0x40: {  	s29 =	simm.s32 $0x200;
	[tilespmem:v5+s21+$0x0] =	vst.idx.add.f32.msk $0xffff, v16  }
.LBB2_5:
0x41: {  	s30 =	sshra.s32 s29, $0x2;
	p1 =	sne.s32 s29, $0xF800;
	s29 =	sadd.s32 $0x200, s29;
	[tilespmem:v4+s21+$0x0] =	vst.idx.add.f32.msk $0xffff, v2  }
0x42: {  	[tilespmem:v1+s21+$0x0] =	vst.idx.add.f32.msk $0xffff, v3  }
0x43: {  	v5 =	vld [tilespmem:s30+$0x11990]  }
0x44: {  	v6 =	vld [tilespmem:s30+$0x11960]  }
0x45: {  	v7 =	vld [tilespmem:s30+$0x11970]  }
0x46: {  	v8 =	vld [tilespmem:s30+$0x11980]  }
0x47: {  	v9 =	vld [tilespmem:s30+$0x9C50]  }
0x48: {  	v10 =	vld [tilespmem:s30+$0x9C40]  }
0x49: {  	v11 =	vld [tilespmem:s30+$0x9C60]  }
0x4a: {  	v12 =	vld [tilespmem:s30+$0x11950]  }
0x4b: {  	v13 =	vld [tilespmem:s30+$0x11940]  }
0x4c: {  	v1 =	vld [tilespmem:s30+$0x119B0]  }
0x4d: {  	v14 =	vld [tilespmem:s30+$0x9C70]  }
0x4e: {  	v15 =	vld [tilespmem:s30+$0x9C80]  }
0x4f: {  	v16 =	vld [tilespmem:s30+$0x9C90]  }
0x50: {  	v2 =	vld [tilespmem:s30+$0x9CA0]  }
0x51: {  	v4 =	vld [tilespmem:s30+$0x119A0]  }
0x52: {  	v3 =	vld [tilespmem:s30+$0x9CB0]  }
0x53: {  	[tilespmem:v13+s21+$0x0] =	vst.idx.add.f32.msk $0xffff, v10  }
.Ltmp1:
0x54: {  	[tilespmem:v12+s21+$0x0] =	vst.idx.add.f32.msk $0xffff, v9;
	(pc) =	sbr.rel @p1 .LBB2_5-.Ltmp1, $4  }
0x55: {  	[tilespmem:v6+s21+$0x0] =	vst.idx.add.f32.msk $0xffff, v11  }
0x56: {  	[tilespmem:v7+s21+$0x0] =	vst.idx.add.f32.msk $0xffff, v14  }
0x57: {  	[tilespmem:v8+s21+$0x0] =	vst.idx.add.f32.msk $0xffff, v15  }
0x58: {  	[tilespmem:v5+s21+$0x0] =	vst.idx.add.f32.msk $0xffff, v16  }
0x59: {  	p1 =	seq.s32 s28, $0x9  }
0x5a: {  	s29 =	smul.u32 @!p1 $0x3E800, s28;
	_ =	sdelay $0x1  }
0x5b: {  	s29 =	sadd.s32 @!p1 $0x3E800, s29  }
0x5c: {  	s30 =	sadd.s32 @!p1 s4, s29  }
0x5d: {  	[tilespmem:v4+s21+$0x0] =	vst.idx.add.f32.msk $0xffff, v2;
	s31 =	simm.s32 @!p1 $0x80;
	s30 =	sshrl.u32 @!p1 s30, $0x3  }
0x5e: {  	[tilespmem:v1+s21+$0x0] =	vst.idx.add.f32.msk $0xffff, v3;
	s0 =	simm.s32 @!p1 $0x400;
	s2 =	simm.s32 @!p1 $0x9C40;
	s30 =	sadd.s32 @!p1 s1, s30  }
0x5f: {  	[tilespmem:s2], [sflag:$0x1] =	stream.strided.gather @!p1 [hbm4b:s30+s31], $0x3E80, s0, s31, $0x38;
	[tilespmem:$0x1E640] =	vst v63  }
0x60: {  	s0 =	sshra.s32 @!p1 s29, $0x2  }
0x61: {  	s2 =	simm.s32 @!p1 $0x100;
	s29 =	simm.s32 @!p1 $0x11940;
	s0 =	sadd.s32 @!p1 s0, s6  }
0x62: {  	[tilespmem:s29], [sflag:$0x3] =	stream.strided.gather @!p1 [spmem:s0], $0x3E80, s2, s31, $0x38;
	[tilespmem:$0x1E640] =	vst v63  }
0x63: {  	_ =	swait.ge [sflag:s22], $0x3E80  }
0x64: {  	[sflag:s22] =	ssyncset.done $0x0  }
0x65: {  	[sflag:s22] =	ssyncadd.s32 $0xFFFFC180  }
0x66: {  	_ =	swait.ge [sflag:s23], $0x3E80  }
0x67: {  	[sflag:s23] =	ssyncset.done $0x0  }
0x68: {  	s31 =	simm.s32 $0x0;
	[sflag:s23] =	ssyncadd.s32 $0xFFFFC180  }
0x69: {  	v5 =	vld [tilespmem:s31+$0x15810]  }
0x6a: {  	v6 =	vld [tilespmem:s31+$0x157E0]  }
0x6b: {  	v7 =	vld [tilespmem:s31+$0x157F0]  }
0x6c: {  	v8 =	vld [tilespmem:s31+$0x15800]  }
0x6d: {  	v9 =	vld [tilespmem:s31+$0xDAD0]  }
0x6e: {  	v10 =	vld [tilespmem:s31+$0xDAC0]  }
0x6f: {  	v11 =	vld [tilespmem:s31+$0xDAE0]  }
0x70: {  	v12 =	vld [tilespmem:s31+$0x157D0]  }
0x71: {  	v13 =	vld [tilespmem:s31+$0x157C0]  }
0x72: {  	v1 =	vld [tilespmem:s31+$0x15830]  }
0x73: {  	v14 =	vld [tilespmem:s31+$0xDAF0]  }
0x74: {  	v15 =	vld [tilespmem:s31+$0xDB00]  }
0x75: {  	v16 =	vld [tilespmem:s31+$0xDB10]  }
0x76: {  	v2 =	vld [tilespmem:s31+$0xDB20]  }
0x77: {  	v3 =	vld [tilespmem:s31+$0x15820]  }
0x78: {  	v4 =	vld [tilespmem:s31+$0xDB30]  }
0x79: {  	[tilespmem:v13+s21+$0x0] =	vst.idx.add.f32.msk $0xffff, v10  }
0x7a: {  	[tilespmem:v12+s21+$0x0] =	vst.idx.add.f32.msk $0xffff, v9  }
0x7b: {  	[tilespmem:v6+s21+$0x0] =	vst.idx.add.f32.msk $0xffff, v11  }
0x7c: {  	[tilespmem:v7+s21+$0x0] =	vst.idx.add.f32.msk $0xffff, v14  }
0x7d: {  	[tilespmem:v8+s21+$0x0] =	vst.idx.add.f32.msk $0xffff, v15  }
0x7e: {  	s29 =	simm.s32 $0x200;
	[tilespmem:v5+s21+$0x0] =	vst.idx.add.f32.msk $0xffff, v16  }
.LBB2_7:
0x7f: {  	s0 =	sshra.s32 s29, $0x2;
	p2 =	sne.s32 s29, $0xF800;
	s29 =	sadd.s32 $0x200, s29;
	[tilespmem:v3+s21+$0x0] =	vst.idx.add.f32.msk $0xffff, v2  }
0x80: {  	[tilespmem:v1+s21+$0x0] =	vst.idx.add.f32.msk $0xffff, v4  }
0x81: {  	v5 =	vld [tilespmem:s0+$0x15810]  }
0x82: {  	v6 =	vld [tilespmem:s0+$0x157E0]  }
0x83: {  	v7 =	vld [tilespmem:s0+$0x157F0]  }
0x84: {  	v8 =	vld [tilespmem:s0+$0x15800]  }
0x85: {  	v9 =	vld [tilespmem:s0+$0xDAD0]  }
0x86: {  	v10 =	vld [tilespmem:s0+$0xDAC0]  }
0x87: {  	v11 =	vld [tilespmem:s0+$0xDAE0]  }
0x88: {  	v12 =	vld [tilespmem:s0+$0x157D0]  }
0x89: {  	v13 =	vld [tilespmem:s0+$0x157C0]  }
0x8a: {  	v1 =	vld [tilespmem:s0+$0x15830]  }
0x8b: {  	v14 =	vld [tilespmem:s0+$0xDAF0]  }
0x8c: {  	v15 =	vld [tilespmem:s0+$0xDB00]  }
0x8d: {  	v16 =	vld [tilespmem:s0+$0xDB10]  }
0x8e: {  	v2 =	vld [tilespmem:s0+$0xDB20]  }
0x8f: {  	v3 =	vld [tilespmem:s0+$0x15820]  }
0x90: {  	v4 =	vld [tilespmem:s0+$0xDB30]  }
0x91: {  	[tilespmem:v13+s21+$0x0] =	vst.idx.add.f32.msk $0xffff, v10  }
.Ltmp2:
0x92: {  	[tilespmem:v12+s21+$0x0] =	vst.idx.add.f32.msk $0xffff, v9;
	(pc) =	sbr.rel @p2 .LBB2_7-.Ltmp2, $4  }
0x93: {  	[tilespmem:v6+s21+$0x0] =	vst.idx.add.f32.msk $0xffff, v11  }
0x94: {  	[tilespmem:v7+s21+$0x0] =	vst.idx.add.f32.msk $0xffff, v14  }
0x95: {  	[tilespmem:v8+s21+$0x0] =	vst.idx.add.f32.msk $0xffff, v15  }
0x96: {  	[tilespmem:v5+s21+$0x0] =	vst.idx.add.f32.msk $0xffff, v16  }
0x97: {  	_ = 	snop  }
.Ltmp3:
0x98: {  	_ = 	snop;
	(pc) =	sbr.rel @p1 .LBB2_10-.Ltmp3, $3  }
0x99: {  	_ =	sdelay $0x1  }
0x9a: {  	[tilespmem:v3+s21+$0x0] =	vst.idx.add.f32.msk $0xffff, v2  }
0x9b: {  	[tilespmem:v1+s21+$0x0] =	vst.idx.add.f32.msk $0xffff, v4  }
0x9c: {  	s0 =	smul.u32 $0x3E800, s28;
	_ =	sdelay $0x1  }
0x9d: {  	s0 =	sadd.s32 $0x5DC00, s0  }
0x9e: {  	s2 =	sadd.s32 s4, s0  }
.Ltmp4:
0x9f: {  	s2 =	sshrl.u32 s2, $0x3;
	(pc) =	sbr.rel .LBB2_4-.Ltmp4, $4  }
0xa0: {  	s0 =	sshra.s32 s0, $0x2;
	s2 =	sadd.s32 s1, s2  }
0xa1: {  	[tilespmem:s17], [sflag:$0x2] =	stream.strided.gather [hbm4b:s2+s12], $0x3E80, s13, s12, $0x38;
	[tilespmem:$0x1E640] =	vst v63  }
0xa2: {  	s28 =	sadd.s32 $0x1, s28;
	s0 =	sadd.s32 s0, s6  }
0xa3: {  	[tilespmem:s18], [sflag:$0x4] =	stream.strided.gather [spmem:s0], $0x3E80, s15, s12, $0x38;
	[tilespmem:$0x1E640] =	vst v63  }
.LBB2_10:
0xa4: {  	s28 =	simm.s32 $0x0  }
0xa5: {  	v4 =	vld [tilespmem:s28+$0x196B0]  }
0xa6: {  	v5 =	vld [tilespmem:s28+$0x19640]  }
0xa7: {  	v6 =	vld [tilespmem:s28+$0x19650]  }
0xa8: {  	v3 =	vld [tilespmem:s28+$0x19660]  }
0xa9: {  	v1 =	vld [tilespmem:s28+$0x19670]  }
0xaa: {  	v2 =	vld [tilespmem:s28+$0x19680];
	[tilespmem:s28+$0x1BEB0] =	vst v4  }
0xab: {  	[tilespmem:s28+$0x1BE40] =	vst v5;
	v4 =	vld [tilespmem:s28+$0x19690]  }
0xac: {  	s29 =	simm.s32 $0x80;
	s30 =	simm.s32 $0x400;
	[tilespmem:s28+$0x1BE50] =	vst v6;
	v5 =	vld [tilespmem:s28+$0x196A0]  }
.LBB2_11:
0xad: {  	p1 =	sne.s32 s30, $0x9E00;
	v6 =	vld [tilespmem:s29+$0x196B0];
	[tilespmem:s28+$0x1BE60] =	vst v3  }
0xae: {  	v7 =	vld [tilespmem:s29+$0x19640];
	[tilespmem:s28+$0x1BE70] =	vst v1  }
0xaf: {  	v8 =	vld [tilespmem:s29+$0x19650];
	[tilespmem:s28+$0x1BE80] =	vst v2  }
.Ltmp5:
0xb0: {  	v3 =	vld [tilespmem:s29+$0x19660];
	[tilespmem:s28+$0x1BE90] =	vst v4;
	(pc) =	sbr.rel @p1 .LBB2_11-.Ltmp5, $4  }
0xb1: {  	v1 =	vld [tilespmem:s29+$0x19670];
	[tilespmem:s28+$0x1BEA0] =	vst v5;
	s28 =	smov.u32 s29  }
0xb2: {  	v2 =	vld [tilespmem:s28+$0x19680];
	[tilespmem:s28+$0x1BEB0] =	vst v6  }
0xb3: {  	[tilespmem:s28+$0x1BE40] =	vst v7;
	v4 =	vld [tilespmem:s28+$0x19690]  }
0xb4: {  	s29 =	sshra.s32 s30, $0x2;
	s30 =	sadd.s32 $0x200, s30;
	[tilespmem:s28+$0x1BE50] =	vst v8;
	v5 =	vld [tilespmem:s28+$0x196A0]  }
0xb5: {  	v6 =	vld [tilespmem:s29+$0x196B0];
	[tilespmem:s28+$0x1BE60] =	vst v3  }
0xb6: {  	v3 =	vld [tilespmem:s29+$0x19640];
	[tilespmem:s28+$0x1BE70] =	vst v1  }
0xb7: {  	v1 =	vld [tilespmem:s29+$0x19650];
	[tilespmem:s28+$0x1BE80] =	vst v2  }
0xb8: {  	v2 =	vld [tilespmem:s29+$0x19660];
	[tilespmem:s28+$0x1BE90] =	vst v4  }
0xb9: {  	v4 =	vld [tilespmem:s29+$0x19670];
	[tilespmem:s28+$0x1BEA0] =	vst v5  }
0xba: {  	v5 =	vld [tilespmem:s29+$0x19680];
	[tilespmem:s29+$0x1BEB0] =	vst v6  }
0xbb: {  	[tilespmem:s29+$0x1BE40] =	vst v3;
	v3 =	vld [tilespmem:s29+$0x19690]  }
0xbc: {  	[tilespmem:s29+$0x1BE50] =	vst v1;
	v1 =	vld [tilespmem:s29+$0x196A0]  }
0xbd: {  	[tilespmem:s29+$0x1BE60] =	vst v2  }
0xbe: {  	[tilespmem:s29+$0x1BE70] =	vst v4  }
0xbf: {  	s26 =	sadd.s32 $0x1, s26;
	[tilespmem:s29+$0x1BE80] =	vst v5  }
0xc0: {  	p1 =	sne.s32 s26, s10;
	[tilespmem:s29+$0x1BE90] =	vst v3  }
.Ltmp6:
0xc1: {  	[tilespmem:s29+$0x1BEA0] =	vst v1;
	(pc) =	sbr.rel @p1 .LBB2_1-.Ltmp6, $4  }
0xc2: {  	[hbm4b:s9+s3] =	stream.linear.scatter [tilespmem:s24], [sflag:$0x5], $0x2800, $0x38;
	[tilespmem:$0x1E640] =	vst v63  }
0xc3: {  	_ =	swait.ge [sflag:s25], $0x2800  }
0xc4: {  	[sflag:s25] =	ssyncset.done $0x0  }
0xc5: {  	[sflag:s25] =	ssyncadd.s32 $0xFFFFD800  }
0xc6: {  	_ =	sfence.sel $0x180000  }
0xc7: {  	[bflag:$0x0] =	sbarrier.arrive $0xFFFF  }
0xc8: {  	_ =	strace $0x90000047  }
0xc9: {  	[bflag:$0x2] =	sbarrier.arrive $0xFFFF  }
0xca: {  	s0 =	rddreg [dreg:$0x4]  }
0xcb: {  	s0 =	sadd.s32 @!p0 $0x100000, s0  }
0xcc: {  	[sflag:s0] =	ssyncadd.tile.s32 @!p0 $0x1;
	_ =	shalt  }
.Lfunc_end2:
_tile_overlayer_lowered:
.L_overlay_start_2:
0xcd: {  	(tag) =	ssettag $0x2  }
0xce: {  	s0 =	rddreg [dreg:$0x0];
	s2 =	stileid.u32  }
0xcf: {  	s1 =	rddreg [dreg:$0x1];
	p0 =	sne.s32 s2, $0x0  }
0xd0: {  	s3 =	rddreg [dreg:$0x2];
	[bflag:$0x3] =	sbarrier.arrive $0xFFFF;
	s2 =	simm.s32 @!p0 $0x1C05  }
0xd1: {  	[timem:s3], [sflag:s2] =	dma.local @!p0 [hbm:s0], s1  }
0xd2: {  	s0 =	simm.s32 @!p0 $0x5  }
0xd3: {  	_ =	swait.ge @!p0 [sflag:s0], s1  }
0xd4: {  	s1 =	ssub.s32 @!p0 $0x0, s1;
	[sflag:s0] =	ssyncset.done @!p0 $0x0  }
0xd5: {  	[sflag:s0] =	ssyncadd.s32 @!p0 s1  }
0xd6: {  	[bflag:$0x3] =	sbarrier.arrive $0xFFFF  }
0xd7: {  	_ =	shalt  }

</sc_bundles>
